<compile_context>
chip_gen: v7x
topology: tpu7x:2x2x1
jax: 0.10.2.dev20260603
libtpu: 0.0.44.dev20260713+nightly
codegen_flags: <defaults>
</compile_context>

<pallas_src>
import jax
import jax.numpy as jnp
from jax import lax
from jax.experimental import pallas as pl
from jax.experimental.pallas import tpu as pltpu
from jax.experimental.pallas import tpu_sc as plsc

_B = 16384
_EDIM = 8
_GRP = 128 // _EDIM
_NC = 2
_NS = 16
_NW = _NC * _NS
_BPW = _B // _NW

_BLK = 2048
_H0 = 64
_H1 = 32


def _gather1(grp_idx, tab128):
    mesh = plsc.VectorSubcoreMesh(core_axis_name="c", subcore_axis_name="s")

    @pl.kernel(
        out_type=jax.ShapeDtypeStruct((_B, 128), jnp.float32),
        mesh=mesh,
        scratch_types=[
            pltpu.VMEM((_BPW,), jnp.int32),
            pltpu.VMEM((_BPW, 128), jnp.float32),
            pltpu.SemaphoreType.DMA,
        ],
    )
    def gather_kernel(idx_hbm, tab_hbm, out_hbm, idx_v, rows_v, sem):
        wid = lax.axis_index("s") * _NC + lax.axis_index("c")
        sl = pl.ds(wid * _BPW, _BPW)
        pltpu.sync_copy(idx_hbm.at[sl], idx_v)
        pltpu.async_copy(tab_hbm.at[idx_v], rows_v, sem).wait()
        pltpu.sync_copy(rows_v, out_hbm.at[sl])

    return gather_kernel(grp_idx, tab128)


def _gather3(ugrp, igrp, pgrp, user_t, item_t, pub_t):
    ue2 = _gather1(ugrp, user_t.reshape(-1, 128))
    ie2 = _gather1(igrp, item_t.reshape(-1, 128))
    pe2 = _gather1(pgrp, pub_t.reshape(-1, 128))
    return ue2, ie2, pe2


def _mlp_body(ue2, ie2, pe2, sel3, pr, ft,
              w0u, w0i, w0p, w0pr, w0f, b0, w1, b1, w2, b2, out):
    lane_grp = lax.broadcasted_iota(jnp.int32, (_BLK, 128), 1) >> 3
    xu = jnp.where(lane_grp == sel3[:, 0:1], ue2[...], 0.0)
    xi = jnp.where(lane_grp == sel3[:, 1:2], ie2[...], 0.0)
    xp = jnp.where(lane_grp == sel3[:, 2:3], pe2[...], 0.0)
    acc = jnp.dot(xu, w0u[...], preferred_element_type=jnp.float32)
    acc += jnp.dot(xi, w0i[...], preferred_element_type=jnp.float32)
    acc += jnp.dot(xp, w0p[...], preferred_element_type=jnp.float32)
    acc += jnp.dot(ft[...], w0f[...], preferred_element_type=jnp.float32)
    acc += pr[...] * w0pr[...]
    h0 = jnp.maximum(acc + b0[...], 0.0)
    h1 = jnp.maximum(
        jnp.dot(h0, w1[...], preferred_element_type=jnp.float32) + b1[...], 0.0)
    out[...] = jax.nn.sigmoid(
        jnp.dot(h1, w2[...], preferred_element_type=jnp.float32) + b2[...])


def _mlp(ue2, ie2, pe2, sel3, price, features, W0, b0, W1, b1, W2, b2):
    W0t = W0.T
    w0u = jnp.tile(W0t[0:_EDIM], (_GRP, 1))
    w0i = jnp.tile(W0t[_EDIM:2 * _EDIM], (_GRP, 1))
    w0p = jnp.tile(W0t[2 * _EDIM:3 * _EDIM], (_GRP, 1))
    w0pr = W0t[3 * _EDIM:3 * _EDIM + 1]
    w0f = W0t[3 * _EDIM + 1:]
    nblk = _B // _BLK
    batch_spec = lambda w: pl.BlockSpec((_BLK, w), lambda i: (i, 0))
    full_spec = lambda a: pl.BlockSpec(a.shape, lambda i: (0,) * a.ndim)
    weights = (w0u, w0i, w0p, w0pr, w0f, b0.reshape(1, -1),
               W1.T, b1.reshape(1, -1), W2.T, b2.reshape(1, -1))
    return pl.pallas_call(
        _mlp_body,
        grid=(nblk,),
        in_specs=[batch_spec(128), batch_spec(128), batch_spec(128),
                  batch_spec(3), batch_spec(1), batch_spec(16)]
                 + [full_spec(w) for w in weights],
        out_specs=pl.BlockSpec((_BLK, 1), lambda i: (i, 0)),
        out_shape=jax.ShapeDtypeStruct((_B, 1), jnp.float32),
    )(ue2, ie2, pe2, sel3, price.reshape(_B, 1), features, *weights)


def kernel(user_input, item_input, publisher_input, price, features,
           user_table, item_table, pub_table,
           W0, b0, W1, b1, W2, b2):
    ue2, ie2, pe2 = _gather3(user_input >> 4, item_input >> 4,
                             publisher_input >> 4,
                             user_table, item_table, pub_table)
    sel3 = jnp.stack([user_input & (_GRP - 1), item_input & (_GRP - 1),
                      publisher_input & (_GRP - 1)], axis=1)
    return _mlp(ue2, ie2, pe2, sel3, price, features, W0, b0, W1, b1, W2, b2)

# --- scband reference (transcript-rebuilt; emitter-appended) ---
"""Pipeline reference for scband-ncf-16346645528591 (READ-ONLY COPY).

The authoritative reference and input builder live on the scoring server;
editing this copy changes nothing except your own understanding.
"""

import jax, jax.numpy as jnp
import numpy as np

B = 16384
USERS = 1000000
ITEMS = 1000000
PUBS = 100000
FEAT = 16
EDIM = 8
IN_SIZE = 3 * EDIM + FEAT + 1  # 41


def setup_inputs(seed: int = 0) -> dict:
    key = jax.random.key(seed)
    ks = jax.random.split(key, 16)
    user_input = jax.random.randint(ks[0], (B,), 0, USERS, dtype=jnp.int32)
    item_input = jax.random.randint(ks[1], (B,), 0, ITEMS, dtype=jnp.int32)
    publisher_input = jax.random.randint(ks[2], (B,), 0, PUBS, dtype=jnp.int32)
    price = jax.random.uniform(ks[3], (B,), dtype=jnp.float32)
    features = jax.random.normal(ks[4], (B, FEAT), dtype=jnp.float32)
    user_table = jax.random.normal(ks[5], (USERS, EDIM), dtype=jnp.float32)
    item_table = jax.random.normal(ks[6], (ITEMS, EDIM), dtype=jnp.float32)
    pub_table = jax.random.normal(ks[7], (PUBS, EDIM), dtype=jnp.float32)
    W0 = jax.random.normal(ks[8], (64, IN_SIZE), dtype=jnp.float32) * (1.0 / np.sqrt(IN_SIZE))
    b0 = jnp.zeros((64,), dtype=jnp.float32)
    W1 = jax.random.normal(ks[9], (32, 64), dtype=jnp.float32) * (1.0 / np.sqrt(64))
    b1 = jnp.zeros((32,), dtype=jnp.float32)
    W2 = jax.random.normal(ks[10], (1, 32), dtype=jnp.float32) * (1.0 / np.sqrt(32))
    b2 = jnp.zeros((1,), dtype=jnp.float32)
    return {
        "user_input": user_input,
        "item_input": item_input,
        "publisher_input": publisher_input,
        "price": price,
        "features": features,
        "user_table": user_table,
        "item_table": item_table,
        "pub_table": pub_table,
        "W0": W0, "b0": b0,
        "W1": W1, "b1": b1,
        "W2": W2, "b2": b2,
    }


def reference(user_input, item_input, publisher_input, price, features,
              user_table, item_table, pub_table,
              W0, b0, W1, b1, W2, b2):
    user_embedded = jnp.take(user_table, user_input, axis=0)
    item_embedded = jnp.take(item_table, item_input, axis=0)
    publisher_embedded = jnp.take(pub_table, publisher_input, axis=0)
    price_e = price[:, None]
    vector = jnp.concatenate([user_embedded, item_embedded, publisher_embedded, price_e, features], axis=-1)
    vector = jax.nn.relu(vector @ W0.T + b0)
    vector = jax.nn.relu(vector @ W1.T + b1)
    pred = jax.nn.sigmoid(vector @ W2.T + b2)
    return pred

if __name__ == "__main__":
    import jax
    _d = setup_inputs()
    print(jax.jit(kernel)(*tuple(_d.values())))

</pallas_src>

<mosaic_0001>
#map = affine_map<(d0, d1) -> (0)>
#map1 = affine_map<(d0, d1) -> (0, 0)>
module attributes {stable_mosaic.version = 14 : i64} {
  func.func @gather_kernel(%arg0: i32, %arg1: i32, %arg2: memref<16384xi32, #tpu.memory_space<hbm>>, %arg3: memref<62500x128xf32, #tpu.memory_space<hbm>>, %arg4: memref<16384x128xf32, #tpu.memory_space<hbm>>, %arg5: memref<512xi32, #tpu.memory_space<vmem>>, %arg6: memref<512x128xf32, #tpu.memory_space<vmem>>, %arg7: memref<!tpu.dma_semaphore, #tpu.memory_space<semaphore_mem>>) attributes {dimension_semantics = [#tpu.dimension_semantics<core_parallel>, #tpu.dimension_semantics<subcore_parallel>], iteration_bounds = array<i64: 2, 16>, scalar_prefetch = 0 : i64, scratch_operands = 3 : i64, tpu.core_type = #tpu.core_type<sc_vector_subcore>, window_params = [{transform_indices = #map}, {transform_indices = #map1}, {transform_indices = #map1}]} {
    %mul3A = arith.constant 2 : i32
    %mul3A_0 = arith.muli %arg1, %mul3A : i32
    %add3A = arith.addi %mul3A_0, %arg0 : i32
    %mul3A_1 = arith.constant 512 : i32
    %mul3A_2 = arith.muli %add3A, %mul3A_1 : i32
    "tpu.region"() ({
      %run_scoped3A = tpu.sem_alloc : memref<!tpu.dma_semaphore, #tpu.memory_space<semaphore_mem>>
      %dma_start3A_7 = tpu.memref_slice %arg2[%mul3A_2] : memref<16384xi32, #tpu.memory_space<hbm>> -> memref<512xi32, #tpu.memory_space<hbm>>
      %dma_start3A_8 = tpu.memref_slice %arg2[%mul3A_2] : memref<16384xi32, #tpu.memory_space<hbm>> -> memref<512xi32, #tpu.memory_space<hbm>>
      tpu.enqueue_dma source(%dma_start3A_8 : memref<512xi32, #tpu.memory_space<hbm>>) target(%arg5 : memref<512xi32, #tpu.memory_space<vmem>>) target_semaphore(%run_scoped3A : memref<!tpu.dma_semaphore, #tpu.memory_space<semaphore_mem>>)
      %dma_wait3A_9 = tpu.memref_slice %arg2[%mul3A_2] : memref<16384xi32, #tpu.memory_space<hbm>> -> memref<512xi32, #tpu.memory_space<hbm>>
      %dma_wait3A_10 = tpu.memref_slice %arg2[%mul3A_2] : memref<16384xi32, #tpu.memory_space<hbm>> -> memref<512xi32, #tpu.memory_space<hbm>>
      tpu.wait_dma2 semaphore(%run_scoped3A : memref<!tpu.dma_semaphore, #tpu.memory_space<semaphore_mem>>) src(%dma_wait3A_10 : memref<512xi32, #tpu.memory_space<hbm>>) dst(%arg5 : memref<512xi32, #tpu.memory_space<vmem>>)
      tpu.yield
    }) : () -> ()
    %dma_start3A = arith.constant 0 : i32
    %dma_start3A_3 = arith.constant 0 : i32
    %dma_start3A_4 = tpu.memref_slice %arg3[%dma_start3A, %dma_start3A_3] : memref<62500x128xf32, #tpu.memory_space<hbm>> -> memref<62500x128xf32, #tpu.memory_space<hbm>>
    tpu.enqueue_indirect_dma source(%dma_start3A_4 : memref<62500x128xf32, #tpu.memory_space<hbm>>) target(%arg6 : memref<512x128xf32, #tpu.memory_space<vmem>>) offsets(%arg5 : memref<512xi32, #tpu.memory_space<vmem>>) semaphore(%arg7 : memref<!tpu.dma_semaphore, #tpu.memory_space<semaphore_mem>>)
    %dma_wait3A = arith.constant 0 : i32
    %dma_wait3A_5 = arith.constant 0 : i32
    %dma_wait3A_6 = tpu.memref_slice %arg3[%dma_wait3A, %dma_wait3A_5] : memref<62500x128xf32, #tpu.memory_space<hbm>> -> memref<62500x128xf32, #tpu.memory_space<hbm>>
    tpu.wait_indirect_dma semaphore(%arg7 : memref<!tpu.dma_semaphore, #tpu.memory_space<semaphore_mem>>) src(%dma_wait3A_6 : memref<62500x128xf32, #tpu.memory_space<hbm>>) dst(%arg6 : memref<512x128xf32, #tpu.memory_space<vmem>>)
    "tpu.region"() ({
      %run_scoped3A = tpu.sem_alloc : memref<!tpu.dma_semaphore, #tpu.memory_space<semaphore_mem>>
      %dma_start3A_7 = arith.constant 0 : i32
      %dma_start3A_8 = tpu.memref_slice %arg4[%mul3A_2, %dma_start3A_7] : memref<16384x128xf32, #tpu.memory_space<hbm>> -> memref<512x128xf32, #tpu.memory_space<hbm>>
      %dma_start3A_9 = arith.constant 0 : i32
      %dma_start3A_10 = tpu.memref_slice %arg4[%mul3A_2, %dma_start3A_9] : memref<16384x128xf32, #tpu.memory_space<hbm>> -> memref<512x128xf32, #tpu.memory_space<hbm>>
      tpu.enqueue_dma source(%arg6 : memref<512x128xf32, #tpu.memory_space<vmem>>) target(%dma_start3A_10 : memref<512x128xf32, #tpu.memory_space<hbm>>) target_semaphore(%run_scoped3A : memref<!tpu.dma_semaphore, #tpu.memory_space<semaphore_mem>>)
      %dma_wait3A_11 = arith.constant 0 : i32
      %dma_wait3A_12 = tpu.memref_slice %arg4[%mul3A_2, %dma_wait3A_11] : memref<16384x128xf32, #tpu.memory_space<hbm>> -> memref<512x128xf32, #tpu.memory_space<hbm>>
      %dma_wait3A_13 = arith.constant 0 : i32
      %dma_wait3A_14 = tpu.memref_slice %arg4[%mul3A_2, %dma_wait3A_13] : memref<16384x128xf32, #tpu.memory_space<hbm>> -> memref<512x128xf32, #tpu.memory_space<hbm>>
      tpu.wait_dma2 semaphore(%run_scoped3A : memref<!tpu.dma_semaphore, #tpu.memory_space<semaphore_mem>>) src(%arg6 : memref<512x128xf32, #tpu.memory_space<vmem>>) dst(%dma_wait3A_14 : memref<512x128xf32, #tpu.memory_space<hbm>>)
      tpu.yield
    }) : () -> ()
    return
  }
}

#map = affine_map<(d0, d1) -> (0)>
#map1 = affine_map<(d0, d1) -> (0, 0)>
module attributes {stable_mosaic.version = 14 : i64} {
  func.func @gather_kernel(%arg0: i32, %arg1: i32, %arg2: memref<16384xi32, #tpu.memory_space<hbm>>, %arg3: memref<6250x128xf32, #tpu.memory_space<hbm>>, %arg4: memref<16384x128xf32, #tpu.memory_space<hbm>>, %arg5: memref<512xi32, #tpu.memory_space<vmem>>, %arg6: memref<512x128xf32, #tpu.memory_space<vmem>>, %arg7: memref<!tpu.dma_semaphore, #tpu.memory_space<semaphore_mem>>) attributes {dimension_semantics = [#tpu.dimension_semantics<core_parallel>, #tpu.dimension_semantics<subcore_parallel>], iteration_bounds = array<i64: 2, 16>, scalar_prefetch = 0 : i64, scratch_operands = 3 : i64, tpu.core_type = #tpu.core_type<sc_vector_subcore>, window_params = [{transform_indices = #map}, {transform_indices = #map1}, {transform_indices = #map1}]} {
    %mul3A = arith.constant 2 : i32
    %mul3A_0 = arith.muli %arg1, %mul3A : i32
    %add3A = arith.addi %mul3A_0, %arg0 : i32
    %mul3A_1 = arith.constant 512 : i32
    %mul3A_2 = arith.muli %add3A, %mul3A_1 : i32
    "tpu.region"() ({
      %run_scoped3A = tpu.sem_alloc : memref<!tpu.dma_semaphore, #tpu.memory_space<semaphore_mem>>
      %dma_start3A_7 = tpu.memref_slice %arg2[%mul3A_2] : memref<16384xi32, #tpu.memory_space<hbm>> -> memref<512xi32, #tpu.memory_space<hbm>>
      %dma_start3A_8 = tpu.memref_slice %arg2[%mul3A_2] : memref<16384xi32, #tpu.memory_space<hbm>> -> memref<512xi32, #tpu.memory_space<hbm>>
      tpu.enqueue_dma source(%dma_start3A_8 : memref<512xi32, #tpu.memory_space<hbm>>) target(%arg5 : memref<512xi32, #tpu.memory_space<vmem>>) target_semaphore(%run_scoped3A : memref<!tpu.dma_semaphore, #tpu.memory_space<semaphore_mem>>)
      %dma_wait3A_9 = tpu.memref_slice %arg2[%mul3A_2] : memref<16384xi32, #tpu.memory_space<hbm>> -> memref<512xi32, #tpu.memory_space<hbm>>
      %dma_wait3A_10 = tpu.memref_slice %arg2[%mul3A_2] : memref<16384xi32, #tpu.memory_space<hbm>> -> memref<512xi32, #tpu.memory_space<hbm>>
      tpu.wait_dma2 semaphore(%run_scoped3A : memref<!tpu.dma_semaphore, #tpu.memory_space<semaphore_mem>>) src(%dma_wait3A_10 : memref<512xi32, #tpu.memory_space<hbm>>) dst(%arg5 : memref<512xi32, #tpu.memory_space<vmem>>)
      tpu.yield
    }) : () -> ()
    %dma_start3A = arith.constant 0 : i32
    %dma_start3A_3 = arith.constant 0 : i32
    %dma_start3A_4 = tpu.memref_slice %arg3[%dma_start3A, %dma_start3A_3] : memref<6250x128xf32, #tpu.memory_space<hbm>> -> memref<6250x128xf32, #tpu.memory_space<hbm>>
    tpu.enqueue_indirect_dma source(%dma_start3A_4 : memref<6250x128xf32, #tpu.memory_space<hbm>>) target(%arg6 : memref<512x128xf32, #tpu.memory_space<vmem>>) offsets(%arg5 : memref<512xi32, #tpu.memory_space<vmem>>) semaphore(%arg7 : memref<!tpu.dma_semaphore, #tpu.memory_space<semaphore_mem>>)
    %dma_wait3A = arith.constant 0 : i32
    %dma_wait3A_5 = arith.constant 0 : i32
    %dma_wait3A_6 = tpu.memref_slice %arg3[%dma_wait3A, %dma_wait3A_5] : memref<6250x128xf32, #tpu.memory_space<hbm>> -> memref<6250x128xf32, #tpu.memory_space<hbm>>
    tpu.wait_indirect_dma semaphore(%arg7 : memref<!tpu.dma_semaphore, #tpu.memory_space<semaphore_mem>>) src(%dma_wait3A_6 : memref<6250x128xf32, #tpu.memory_space<hbm>>) dst(%arg6 : memref<512x128xf32, #tpu.memory_space<vmem>>)
    "tpu.region"() ({
      %run_scoped3A = tpu.sem_alloc : memref<!tpu.dma_semaphore, #tpu.memory_space<semaphore_mem>>
      %dma_start3A_7 = arith.constant 0 : i32
      %dma_start3A_8 = tpu.memref_slice %arg4[%mul3A_2, %dma_start3A_7] : memref<16384x128xf32, #tpu.memory_space<hbm>> -> memref<512x128xf32, #tpu.memory_space<hbm>>
      %dma_start3A_9 = arith.constant 0 : i32
      %dma_start3A_10 = tpu.memref_slice %arg4[%mul3A_2, %dma_start3A_9] : memref<16384x128xf32, #tpu.memory_space<hbm>> -> memref<512x128xf32, #tpu.memory_space<hbm>>
      tpu.enqueue_dma source(%arg6 : memref<512x128xf32, #tpu.memory_space<vmem>>) target(%dma_start3A_10 : memref<512x128xf32, #tpu.memory_space<hbm>>) target_semaphore(%run_scoped3A : memref<!tpu.dma_semaphore, #tpu.memory_space<semaphore_mem>>)
      %dma_wait3A_11 = arith.constant 0 : i32
      %dma_wait3A_12 = tpu.memref_slice %arg4[%mul3A_2, %dma_wait3A_11] : memref<16384x128xf32, #tpu.memory_space<hbm>> -> memref<512x128xf32, #tpu.memory_space<hbm>>
      %dma_wait3A_13 = arith.constant 0 : i32
      %dma_wait3A_14 = tpu.memref_slice %arg4[%mul3A_2, %dma_wait3A_13] : memref<16384x128xf32, #tpu.memory_space<hbm>> -> memref<512x128xf32, #tpu.memory_space<hbm>>
      tpu.wait_dma2 semaphore(%run_scoped3A : memref<!tpu.dma_semaphore, #tpu.memory_space<semaphore_mem>>) src(%arg6 : memref<512x128xf32, #tpu.memory_space<vmem>>) dst(%dma_wait3A_14 : memref<512x128xf32, #tpu.memory_space<hbm>>)
      tpu.yield
    }) : () -> ()
    return
  }
}

#map = affine_map<(d0, d1) -> (0)>
#map1 = affine_map<(d0, d1) -> (0, 0)>
module attributes {stable_mosaic.version = 14 : i64} {
  func.func @gather_kernel(%arg0: i32, %arg1: i32, %arg2: memref<16384xi32, #tpu.memory_space<hbm>>, %arg3: memref<62500x128xf32, #tpu.memory_space<hbm>>, %arg4: memref<16384x128xf32, #tpu.memory_space<hbm>>, %arg5: memref<512xi32, #tpu.memory_space<vmem>>, %arg6: memref<512x128xf32, #tpu.memory_space<vmem>>, %arg7: memref<!tpu.dma_semaphore, #tpu.memory_space<semaphore_mem>>) attributes {dimension_semantics = [#tpu.dimension_semantics<core_parallel>, #tpu.dimension_semantics<subcore_parallel>], iteration_bounds = array<i64: 2, 16>, scalar_prefetch = 0 : i64, scratch_operands = 3 : i64, tpu.core_type = #tpu.core_type<sc_vector_subcore>, window_params = [{transform_indices = #map}, {transform_indices = #map1}, {transform_indices = #map1}]} {
    %mul3A = arith.constant 2 : i32
    %mul3A_0 = arith.muli %arg1, %mul3A : i32
    %add3A = arith.addi %mul3A_0, %arg0 : i32
    %mul3A_1 = arith.constant 512 : i32
    %mul3A_2 = arith.muli %add3A, %mul3A_1 : i32
    "tpu.region"() ({
      %run_scoped3A = tpu.sem_alloc : memref<!tpu.dma_semaphore, #tpu.memory_space<semaphore_mem>>
      %dma_start3A_7 = tpu.memref_slice %arg2[%mul3A_2] : memref<16384xi32, #tpu.memory_space<hbm>> -> memref<512xi32, #tpu.memory_space<hbm>>
      %dma_start3A_8 = tpu.memref_slice %arg2[%mul3A_2] : memref<16384xi32, #tpu.memory_space<hbm>> -> memref<512xi32, #tpu.memory_space<hbm>>
      tpu.enqueue_dma source(%dma_start3A_8 : memref<512xi32, #tpu.memory_space<hbm>>) target(%arg5 : memref<512xi32, #tpu.memory_space<vmem>>) target_semaphore(%run_scoped3A : memref<!tpu.dma_semaphore, #tpu.memory_space<semaphore_mem>>)
      %dma_wait3A_9 = tpu.memref_slice %arg2[%mul3A_2] : memref<16384xi32, #tpu.memory_space<hbm>> -> memref<512xi32, #tpu.memory_space<hbm>>
      %dma_wait3A_10 = tpu.memref_slice %arg2[%mul3A_2] : memref<16384xi32, #tpu.memory_space<hbm>> -> memref<512xi32, #tpu.memory_space<hbm>>
      tpu.wait_dma2 semaphore(%run_scoped3A : memref<!tpu.dma_semaphore, #tpu.memory_space<semaphore_mem>>) src(%dma_wait3A_10 : memref<512xi32, #tpu.memory_space<hbm>>) dst(%arg5 : memref<512xi32, #tpu.memory_space<vmem>>)
      tpu.yield
    }) : () -> ()
    %dma_start3A = arith.constant 0 : i32
    %dma_start3A_3 = arith.constant 0 : i32
    %dma_start3A_4 = tpu.memref_slice %arg3[%dma_start3A, %dma_start3A_3] : memref<62500x128xf32, #tpu.memory_space<hbm>> -> memref<62500x128xf32, #tpu.memory_space<hbm>>
    tpu.enqueue_indirect_dma source(%dma_start3A_4 : memref<62500x128xf32, #tpu.memory_space<hbm>>) target(%arg6 : memref<512x128xf32, #tpu.memory_space<vmem>>) offsets(%arg5 : memref<512xi32, #tpu.memory_space<vmem>>) semaphore(%arg7 : memref<!tpu.dma_semaphore, #tpu.memory_space<semaphore_mem>>)
    %dma_wait3A = arith.constant 0 : i32
    %dma_wait3A_5 = arith.constant 0 : i32
    %dma_wait3A_6 = tpu.memref_slice %arg3[%dma_wait3A, %dma_wait3A_5] : memref<62500x128xf32, #tpu.memory_space<hbm>> -> memref<62500x128xf32, #tpu.memory_space<hbm>>
    tpu.wait_indirect_dma semaphore(%arg7 : memref<!tpu.dma_semaphore, #tpu.memory_space<semaphore_mem>>) src(%dma_wait3A_6 : memref<62500x128xf32, #tpu.memory_space<hbm>>) dst(%arg6 : memref<512x128xf32, #tpu.memory_space<vmem>>)
    "tpu.region"() ({
      %run_scoped3A = tpu.sem_alloc : memref<!tpu.dma_semaphore, #tpu.memory_space<semaphore_mem>>
      %dma_start3A_7 = arith.constant 0 : i32
      %dma_start3A_8 = tpu.memref_slice %arg4[%mul3A_2, %dma_start3A_7] : memref<16384x128xf32, #tpu.memory_space<hbm>> -> memref<512x128xf32, #tpu.memory_space<hbm>>
      %dma_start3A_9 = arith.constant 0 : i32
      %dma_start3A_10 = tpu.memref_slice %arg4[%mul3A_2, %dma_start3A_9] : memref<16384x128xf32, #tpu.memory_space<hbm>> -> memref<512x128xf32, #tpu.memory_space<hbm>>
      tpu.enqueue_dma source(%arg6 : memref<512x128xf32, #tpu.memory_space<vmem>>) target(%dma_start3A_10 : memref<512x128xf32, #tpu.memory_space<hbm>>) target_semaphore(%run_scoped3A : memref<!tpu.dma_semaphore, #tpu.memory_space<semaphore_mem>>)
      %dma_wait3A_11 = arith.constant 0 : i32
      %dma_wait3A_12 = tpu.memref_slice %arg4[%mul3A_2, %dma_wait3A_11] : memref<16384x128xf32, #tpu.memory_space<hbm>> -> memref<512x128xf32, #tpu.memory_space<hbm>>
      %dma_wait3A_13 = arith.constant 0 : i32
      %dma_wait3A_14 = tpu.memref_slice %arg4[%mul3A_2, %dma_wait3A_13] : memref<16384x128xf32, #tpu.memory_space<hbm>> -> memref<512x128xf32, #tpu.memory_space<hbm>>
      tpu.wait_dma2 semaphore(%run_scoped3A : memref<!tpu.dma_semaphore, #tpu.memory_space<semaphore_mem>>) src(%arg6 : memref<512x128xf32, #tpu.memory_space<vmem>>) dst(%dma_wait3A_14 : memref<512x128xf32, #tpu.memory_space<hbm>>)
      tpu.yield
    }) : () -> ()
    return
  }
}

module attributes {stable_mosaic.version = 14 : i64} {
  func.func @_mlp_body(%arg0: i32, %arg1: memref<2048x128xf32, #tpu.memory_space<vmem>>, %arg2: memref<2048x128xf32, #tpu.memory_space<vmem>>, %arg3: memref<2048x128xf32, #tpu.memory_space<vmem>>, %arg4: memref<2048x3xi32, #tpu.memory_space<vmem>>, %arg5: memref<2048x1xf32, #tpu.memory_space<vmem>>, %arg6: memref<2048x16xf32, #tpu.memory_space<vmem>>, %arg7: memref<128x64xf32, #tpu.memory_space<vmem>>, %arg8: memref<128x64xf32, #tpu.memory_space<vmem>>, %arg9: memref<128x64xf32, #tpu.memory_space<vmem>>, %arg10: memref<1x64xf32, #tpu.memory_space<vmem>>, %arg11: memref<16x64xf32, #tpu.memory_space<vmem>>, %arg12: memref<1x64xf32, #tpu.memory_space<vmem>>, %arg13: memref<64x32xf32, #tpu.memory_space<vmem>>, %arg14: memref<1x32xf32, #tpu.memory_space<vmem>>, %arg15: memref<32x1xf32, #tpu.memory_space<vmem>>, %arg16: memref<1x1xf32, #tpu.memory_space<vmem>>, %arg17: memref<2048x1xf32, #tpu.memory_space<vmem>>) attributes {dimension_semantics = [#tpu.dimension_semantics<arbitrary>], iteration_bounds = array<i64: 8>, scalar_prefetch = 0 : i64, scratch_operands = 0 : i64, tpu.core_type = #tpu.core_type<tc>, window_params = [{transform_indices = @transform_0, window_bounds = array<i64: 2048, 128>}, {transform_indices = @transform_1, window_bounds = array<i64: 2048, 128>}, {transform_indices = @transform_2, window_bounds = array<i64: 2048, 128>}, {transform_indices = @transform_3, window_bounds = array<i64: 2048, 3>}, {transform_indices = @transform_4, window_bounds = array<i64: 2048, 1>}, {transform_indices = @transform_5, window_bounds = array<i64: 2048, 16>}, {pipeline_mode = #tpu.pipeline_mode<synchronous>, transform_indices = @transform_6, window_bounds = array<i64: 128, 64>}, {pipeline_mode = #tpu.pipeline_mode<synchronous>, transform_indices = @transform_7, window_bounds = array<i64: 128, 64>}, {pipeline_mode = #tpu.pipeline_mode<synchronous>, transform_indices = @transform_8, window_bounds = array<i64: 128, 64>}, {pipeline_mode = #tpu.pipeline_mode<synchronous>, transform_indices = @transform_9, window_bounds = array<i64: 1, 64>}, {pipeline_mode = #tpu.pipeline_mode<synchronous>, transform_indices = @transform_10, window_bounds = array<i64: 16, 64>}, {pipeline_mode = #tpu.pipeline_mode<synchronous>, transform_indices = @transform_11, window_bounds = array<i64: 1, 64>}, {pipeline_mode = #tpu.pipeline_mode<synchronous>, transform_indices = @transform_12, window_bounds = array<i64: 64, 32>}, {pipeline_mode = #tpu.pipeline_mode<synchronous>, transform_indices = @transform_13, window_bounds = array<i64: 1, 32>}, {pipeline_mode = #tpu.pipeline_mode<synchronous>, transform_indices = @transform_14, window_bounds = array<i64: 32, 1>}, {pipeline_mode = #tpu.pipeline_mode<synchronous>, transform_indices = @transform_15, window_bounds = array<i64: 1, 1>}, {transform_indices = @transform_16, window_bounds = array<i64: 2048, 1>}]} {
    %iota3A = tpu.iota {dimensions = array<i32: 1>} : vector<2048x128xi32>
    %shift_right_arithmetic3A = arith.constant 3 : i32
    %shift_right_arithmetic3A_0 = vector.broadcast %shift_right_arithmetic3A : i32 to vector<2048x128xi32>
    %shift_right_arithmetic3A_1 = arith.shrsi %iota3A, %shift_right_arithmetic3A_0 : vector<2048x128xi32>
    %get3A = arith.constant 0 : index
    %get3A_2 = arith.constant 0 : index
    %get3A_3 = vector.load %arg4[%get3A, %get3A_2] : memref<2048x3xi32, #tpu.memory_space<vmem>>, vector<2048x1xi32>
    %eq3A = vector.broadcast %get3A_3 : vector<2048x1xi32> to vector<2048x128xi32>
    %eq3A_4 = arith.cmpi eq, %shift_right_arithmetic3A_1, %eq3A : vector<2048x128xi32>
    %get3A_5 = arith.constant 0 : index
    %get3A_6 = arith.constant 0 : index
    %get3A_7 = vector.load %arg1[%get3A_5, %get3A_6] : memref<2048x128xf32, #tpu.memory_space<vmem>>, vector<2048x128xf32>
    %jit3A = arith.constant 0.000000e+00 : f32
    %broadcast_in_dim3A = vector.broadcast %jit3A : f32 to vector<2048x128xf32>
    %select_n3A = arith.select %eq3A_4, %get3A_7, %broadcast_in_dim3A : vector<2048x128xi1>, vector<2048x128xf32>
    %get3A_8 = arith.constant 0 : index
    %get3A_9 = arith.constant 1 : index
    %get3A_10 = vector.load %arg4[%get3A_8, %get3A_9] : memref<2048x3xi32, #tpu.memory_space<vmem>>, vector<2048x1xi32>
    %eq3A_11 = vector.broadcast %get3A_10 : vector<2048x1xi32> to vector<2048x128xi32>
    %eq3A_12 = arith.cmpi eq, %shift_right_arithmetic3A_1, %eq3A_11 : vector<2048x128xi32>
    %get3A_13 = arith.constant 0 : index
    %get3A_14 = arith.constant 0 : index
    %get3A_15 = vector.load %arg2[%get3A_13, %get3A_14] : memref<2048x128xf32, #tpu.memory_space<vmem>>, vector<2048x128xf32>
    %jit3A_16 = arith.constant 0.000000e+00 : f32
    %broadcast_in_dim3A_17 = vector.broadcast %jit3A_16 : f32 to vector<2048x128xf32>
    %select_n3A_18 = arith.select %eq3A_12, %get3A_15, %broadcast_in_dim3A_17 : vector<2048x128xi1>, vector<2048x128xf32>
    %get3A_19 = arith.constant 0 : index
    %get3A_20 = arith.constant 2 : index
    %get3A_21 = vector.load %arg4[%get3A_19, %get3A_20] : memref<2048x3xi32, #tpu.memory_space<vmem>>, vector<2048x1xi32>
    %eq3A_22 = vector.broadcast %get3A_21 : vector<2048x1xi32> to vector<2048x128xi32>
    %eq3A_23 = arith.cmpi eq, %shift_right_arithmetic3A_1, %eq3A_22 : vector<2048x128xi32>
    %get3A_24 = arith.constant 0 : index
    %get3A_25 = arith.constant 0 : index
    %get3A_26 = vector.load %arg3[%get3A_24, %get3A_25] : memref<2048x128xf32, #tpu.memory_space<vmem>>, vector<2048x128xf32>
    %jit3A_27 = arith.constant 0.000000e+00 : f32
    %broadcast_in_dim3A_28 = vector.broadcast %jit3A_27 : f32 to vector<2048x128xf32>
    %select_n3A_29 = arith.select %eq3A_23, %get3A_26, %broadcast_in_dim3A_28 : vector<2048x128xi1>, vector<2048x128xf32>
    %get3A_30 = arith.constant 0 : index
    %get3A_31 = arith.constant 0 : index
    %get3A_32 = vector.load %arg7[%get3A_30, %get3A_31] : memref<128x64xf32, #tpu.memory_space<vmem>>, vector<128x64xf32>
    %dot_general3A = arith.constant dense<0.000000e+00> : vector<2048x64xf32>
    %dot_general3A_33 = tpu.matmul %select_n3A, %get3A_32, %dot_general3A {dimension_numbers = #tpu.dot_dimension_numbers<[1], [0], [0], [1], [0, 0, 1, 1], [], []>, transpose_lhs_hint = false} : vector<2048x128xf32>, vector<128x64xf32>, vector<2048x64xf32> -> vector<2048x64xf32>
    %get3A_34 = arith.constant 0 : index
    %get3A_35 = arith.constant 0 : index
    %get3A_36 = vector.load %arg8[%get3A_34, %get3A_35] : memref<128x64xf32, #tpu.memory_space<vmem>>, vector<128x64xf32>
    %dot_general3A_37 = arith.constant dense<0.000000e+00> : vector<2048x64xf32>
    %dot_general3A_38 = tpu.matmul %select_n3A_18, %get3A_36, %dot_general3A_37 {dimension_numbers = #tpu.dot_dimension_numbers<[1], [0], [0], [1], [0, 0, 1, 1], [], []>, transpose_lhs_hint = false} : vector<2048x128xf32>, vector<128x64xf32>, vector<2048x64xf32> -> vector<2048x64xf32>
    %add3A = arith.addf %dot_general3A_33, %dot_general3A_38 : vector<2048x64xf32>
    %get3A_39 = arith.constant 0 : index
    %get3A_40 = arith.constant 0 : index
    %get3A_41 = vector.load %arg9[%get3A_39, %get3A_40] : memref<128x64xf32, #tpu.memory_space<vmem>>, vector<128x64xf32>
    %dot_general3A_42 = arith.constant dense<0.000000e+00> : vector<2048x64xf32>
    %dot_general3A_43 = tpu.matmul %select_n3A_29, %get3A_41, %dot_general3A_42 {dimension_numbers = #tpu.dot_dimension_numbers<[1], [0], [0], [1], [0, 0, 1, 1], [], []>, transpose_lhs_hint = false} : vector<2048x128xf32>, vector<128x64xf32>, vector<2048x64xf32> -> vector<2048x64xf32>
    %add3A_44 = arith.addf %add3A, %dot_general3A_43 : vector<2048x64xf32>
    %get3A_45 = arith.constant 0 : index
    %get3A_46 = arith.constant 0 : index
    %get3A_47 = vector.load %arg6[%get3A_45, %get3A_46] : memref<2048x16xf32, #tpu.memory_space<vmem>>, vector<2048x16xf32>
    %get3A_48 = arith.constant 0 : index
    %get3A_49 = arith.constant 0 : index
    %get3A_50 = vector.load %arg11[%get3A_48, %get3A_49] : memref<16x64xf32, #tpu.memory_space<vmem>>, vector<16x64xf32>
    %dot_general3A_51 = arith.constant dense<0.000000e+00> : vector<2048x64xf32>
    %dot_general3A_52 = tpu.matmul %get3A_47, %get3A_50, %dot_general3A_51 {dimension_numbers = #tpu.dot_dimension_numbers<[1], [0], [0], [1], [0, 0, 1, 1], [], []>, transpose_lhs_hint = false} : vector<2048x16xf32>, vector<16x64xf32>, vector<2048x64xf32> -> vector<2048x64xf32>
    %add3A_53 = arith.addf %add3A_44, %dot_general3A_52 : vector<2048x64xf32>
    %get3A_54 = arith.constant 0 : index
    %get3A_55 = arith.constant 0 : index
    %get3A_56 = vector.load %arg5[%get3A_54, %get3A_55] : memref<2048x1xf32, #tpu.memory_space<vmem>>, vector<2048x1xf32>
    %get3A_57 = arith.constant 0 : index
    %get3A_58 = arith.constant 0 : index
    %get3A_59 = vector.load %arg10[%get3A_57, %get3A_58] : memref<1x64xf32, #tpu.memory_space<vmem>>, vector<1x64xf32>
    %mul3A = vector.broadcast %get3A_56 : vector<2048x1xf32> to vector<2048x64xf32>
    %mul3A_60 = vector.broadcast %get3A_59 : vector<1x64xf32> to vector<2048x64xf32>
    %mul3A_61 = arith.mulf %mul3A, %mul3A_60 : vector<2048x64xf32>
    %add3A_62 = arith.addf %add3A_53, %mul3A_61 : vector<2048x64xf32>
    %get3A_63 = arith.constant 0 : index
    %get3A_64 = arith.constant 0 : index
    %get3A_65 = vector.load %arg12[%get3A_63, %get3A_64] : memref<1x64xf32, #tpu.memory_space<vmem>>, vector<1x64xf32>
    %add3A_66 = vector.broadcast %get3A_65 : vector<1x64xf32> to vector<2048x64xf32>
    %add3A_67 = arith.addf %add3A_62, %add3A_66 : vector<2048x64xf32>
    %max3A = arith.constant 0.000000e+00 : f32
    %max3A_68 = vector.broadcast %max3A : f32 to vector<2048x64xf32>
    %max3A_69 = arith.maximumf %add3A_67, %max3A_68 : vector<2048x64xf32>
    %get3A_70 = arith.constant 0 : index
    %get3A_71 = arith.constant 0 : index
    %get3A_72 = vector.load %arg13[%get3A_70, %get3A_71] : memref<64x32xf32, #tpu.memory_space<vmem>>, vector<64x32xf32>
    %dot_general3A_73 = arith.constant dense<0.000000e+00> : vector<2048x32xf32>
    %dot_general3A_74 = tpu.matmul %max3A_69, %get3A_72, %dot_general3A_73 {dimension_numbers = #tpu.dot_dimension_numbers<[1], [0], [0], [1], [0, 0, 1, 1], [], []>, transpose_lhs_hint = false} : vector<2048x64xf32>, vector<64x32xf32>, vector<2048x32xf32> -> vector<2048x32xf32>
    %get3A_75 = arith.constant 0 : index
    %get3A_76 = arith.constant 0 : index
    %get3A_77 = vector.load %arg14[%get3A_75, %get3A_76] : memref<1x32xf32, #tpu.memory_space<vmem>>, vector<1x32xf32>
    %add3A_78 = vector.broadcast %get3A_77 : vector<1x32xf32> to vector<2048x32xf32>
    %add3A_79 = arith.addf %dot_general3A_74, %add3A_78 : vector<2048x32xf32>
    %max3A_80 = arith.constant 0.000000e+00 : f32
    %max3A_81 = vector.broadcast %max3A_80 : f32 to vector<2048x32xf32>
    %max3A_82 = arith.maximumf %add3A_79, %max3A_81 : vector<2048x32xf32>
    %get3A_83 = arith.constant 0 : index
    %get3A_84 = arith.constant 0 : index
    %get3A_85 = vector.load %arg15[%get3A_83, %get3A_84] : memref<32x1xf32, #tpu.memory_space<vmem>>, vector<32x1xf32>
    %dot_general3A_86 = arith.constant dense<0.000000e+00> : vector<2048x1xf32>
    %dot_general3A_87 = tpu.matmul %max3A_82, %get3A_85, %dot_general3A_86 {dimension_numbers = #tpu.dot_dimension_numbers<[1], [0], [0], [1], [0, 0, 1, 1], [], []>, transpose_lhs_hint = false} : vector<2048x32xf32>, vector<32x1xf32>, vector<2048x1xf32> -> vector<2048x1xf32>
    %get3A_88 = arith.constant 0 : index
    %get3A_89 = arith.constant 0 : index
    %get3A_90 = vector.load %arg16[%get3A_88, %get3A_89] : memref<1x1xf32, #tpu.memory_space<vmem>>, vector<1x1xf32>
    %add3A_91 = vector.broadcast %get3A_90 : vector<1x1xf32> to vector<2048x1xf32>
    %add3A_92 = arith.addf %dot_general3A_87, %add3A_91 : vector<2048x1xf32>
    %logistic3A = arith.negf %add3A_92 : vector<2048x1xf32>
    %logistic3A_93 = math.exp %logistic3A : vector<2048x1xf32>
    %logistic3A_94 = arith.constant 1.000000e+00 : f32
    %logistic3A_95 = vector.broadcast %logistic3A_94 : f32 to vector<2048x1xf32>
    %logistic3A_96 = arith.addf %logistic3A_95, %logistic3A_93 : vector<2048x1xf32>
    %logistic3A_97 = arith.divf %logistic3A_95, %logistic3A_96 : vector<2048x1xf32>
    %swap3A = arith.constant 0 : index
    %swap3A_98 = arith.constant 0 : index
    %swap3A_99 = vector.load %arg17[%swap3A, %swap3A_98] : memref<2048x1xf32, #tpu.memory_space<vmem>>, vector<2048x1xf32>
    tpu.vector_store %arg17[%swap3A, %swap3A_98], %logistic3A_97 {strides = array<i32>} : memref<2048x1xf32, #tpu.memory_space<vmem>>, vector<2048x1xf32>,
    return
  }
  func.func @transform_0(%arg0: i32) -> (i32, i32) {
    %c0_i32 = arith.constant 0 : i32
    %c0_i32_0 = arith.constant 0 : i32
    return %arg0, %c0_i32 : i32, i32
  }
  func.func @transform_1(%arg0: i32) -> (i32, i32) {
    %c0_i32 = arith.constant 0 : i32
    %c0_i32_0 = arith.constant 0 : i32
    return %arg0, %c0_i32 : i32, i32
  }
  func.func @transform_2(%arg0: i32) -> (i32, i32) {
    %c0_i32 = arith.constant 0 : i32
    %c0_i32_0 = arith.constant 0 : i32
    return %arg0, %c0_i32 : i32, i32
  }
  func.func @transform_3(%arg0: i32) -> (i32, i32) {
    %c0_i32 = arith.constant 0 : i32
    %c0_i32_0 = arith.constant 0 : i32
    return %arg0, %c0_i32 : i32, i32
  }
  func.func @transform_4(%arg0: i32) -> (i32, i32) {
    %c0_i32 = arith.constant 0 : i32
    %c0_i32_0 = arith.constant 0 : i32
    return %arg0, %c0_i32 : i32, i32
  }
  func.func @transform_5(%arg0: i32) -> (i32, i32) {
    %c0_i32 = arith.constant 0 : i32
    %c0_i32_0 = arith.constant 0 : i32
    return %arg0, %c0_i32 : i32, i32
  }
  func.func @transform_6(%arg0: i32) -> (i32, i32) {
    %c0_i32 = arith.constant 0 : i32
    %c0_i32_0 = arith.constant 0 : i32
    %c0_i32_1 = arith.constant 0 : i32
    return %c0_i32, %c0_i32_0 : i32, i32
  }
  func.func @transform_7(%arg0: i32) -> (i32, i32) {
    %c0_i32 = arith.constant 0 : i32
    %c0_i32_0 = arith.constant 0 : i32
    %c0_i32_1 = arith.constant 0 : i32
    return %c0_i32, %c0_i32_0 : i32, i32
  }
  func.func @transform_8(%arg0: i32) -> (i32, i32) {
    %c0_i32 = arith.constant 0 : i32
    %c0_i32_0 = arith.constant 0 : i32
    %c0_i32_1 = arith.constant 0 : i32
    return %c0_i32, %c0_i32_0 : i32, i32
  }
  func.func @transform_9(%arg0: i32) -> (i32, i32) {
    %c0_i32 = arith.constant 0 : i32
    %c0_i32_0 = arith.constant 0 : i32
    %c0_i32_1 = arith.constant 0 : i32
    return %c0_i32, %c0_i32_0 : i32, i32
  }
  func.func @transform_10(%arg0: i32) -> (i32, i32) {
    %c0_i32 = arith.constant 0 : i32
    %c0_i32_0 = arith.constant 0 : i32
    %c0_i32_1 = arith.constant 0 : i32
    return %c0_i32, %c0_i32_0 : i32, i32
  }
  func.func @transform_11(%arg0: i32) -> (i32, i32) {
    %c0_i32 = arith.constant 0 : i32
    %c0_i32_0 = arith.constant 0 : i32
    %c0_i32_1 = arith.constant 0 : i32
    return %c0_i32, %c0_i32_0 : i32, i32
  }
  func.func @transform_12(%arg0: i32) -> (i32, i32) {
    %c0_i32 = arith.constant 0 : i32
    %c0_i32_0 = arith.constant 0 : i32
    %c0_i32_1 = arith.constant 0 : i32
    return %c0_i32, %c0_i32_0 : i32, i32
  }
  func.func @transform_13(%arg0: i32) -> (i32, i32) {
    %c0_i32 = arith.constant 0 : i32
    %c0_i32_0 = arith.constant 0 : i32
    %c0_i32_1 = arith.constant 0 : i32
    return %c0_i32, %c0_i32_0 : i32, i32
  }
  func.func @transform_14(%arg0: i32) -> (i32, i32) {
    %c0_i32 = arith.constant 0 : i32
    %c0_i32_0 = arith.constant 0 : i32
    %c0_i32_1 = arith.constant 0 : i32
    return %c0_i32, %c0_i32_0 : i32, i32
  }
  func.func @transform_15(%arg0: i32) -> (i32, i32) {
    %c0_i32 = arith.constant 0 : i32
    %c0_i32_0 = arith.constant 0 : i32
    %c0_i32_1 = arith.constant 0 : i32
    return %c0_i32, %c0_i32_0 : i32, i32
  }
  func.func @transform_16(%arg0: i32) -> (i32, i32) {
    %c0_i32 = arith.constant 0 : i32
    %c0_i32_0 = arith.constant 0 : i32
    return %arg0, %c0_i32 : i32, i32
  }
}

</mosaic_0001>

<sc_bundles>
// kernel: kernel.12.cloned.1.call-start
scs
__scs_entry_jumppad:
0x0: {  	(pc) =	sbr.rel $0x88, $3  }
0x1: {  	(tag) =	ssettag $0x0;
	lr =	simm.s32 $0x1  }
0x2: {  	[smem:$0x3F93] =	sst lr;
	_ =	strace $0xD0000000  }
0x3: {  	_ = 	snop  }
0x4: {  	_ = 	snop  }
0x5: {  	_ = 	snop  }
0x6: {  	_ = 	snop  }
0x7: {  	_ = 	snop  }
__scs_overlays_trampoline_lowered:
0x8: {  	[smem:$0x3FA2] =	sst s0  }
0x9: {  	[smem:$0x3FA3] =	sst s1  }
0xa: {  	[smem:$0x3FA4] =	sst s2  }
0xb: {  	[smem:$0x3FA5] =	sst s3  }
0xc: {  	[smem:$0x3FA6] =	sst s4  }
0xd: {  	[smem:$0x3FA7] =	sst s5  }
0xe: {  	[smem:$0x3FA8] =	sst s6  }
0xf: {  	[smem:$0x3FA9] =	sst s7  }
0x10: {  	[smem:$0x3FAA] =	sst s8  }
0x11: {  	[smem:$0x3FAB] =	sst s9;
	s0 =	simm.s32 @!p0 $0x0  }
0x12: {  	s1 =	sld [smem:$0x3F91];
	s0 =	simm.s32 @p0 $0x1  }
0x13: {  	[smem:$0x3FAC] =	sst s0;
	s0 =	simm.s32 @!p1 $0x0  }
0x14: {  	s2 =	sld [smem:$0x3F90];
	s0 =	simm.s32 @p1 $0x1  }
0x15: {  	[smem:$0x3FAD] =	sst s0;
	s0 =	simm.s32 @!p2 $0x0  }
0x16: {  	s3 =	sld [smem:$0x3FDB];
	s0 =	simm.s32 @p2 $0x1  }
0x17: {  	s4 =	simm.s32 $0x1BF5;
	[smem:$0x3FAF] =	sst s0  }
0x18: {  	s0 =	sld [smem:$0x3F92];
	_ =	swait.ge [sflag:s4], $0x0  }
0x19: {  	s7 =	sld [smem:$0x3F93]  }
0x1a: {  	s8 =	sadd.s32 $0xFFFFE003, lr  }
0x1b: {  	s9 =	sadd.s32 $0xFFFFFEF7, lr;
	s5 =	simm.s32 $0xFFFFFFFF;
	p2 =	slt.u32 s8, $0xFFFFF086  }
0x1c: {  	p1 =	slt.u32 s9, $0xF7A;
	s5 =	simm.s32 @!p2 $0x0  }
0x1d: {  	s5 =	simm.s32 @p1 $0x1;
	p0 =	seq.s32 s7, s2  }
0x1e: {  	s7 =	smul.u32 @!p0 $0xF7A, s2;
	p2 =	seq.s32 @!p0 s5, $0x0  }
0x1f: {  	s9 =	smul.u32 $0xF7A, s1;
	s8 =	simm.s32 @!p0 $0x1BF5;
	p2 =	por !p2, p0  }
0x20: {  	[sflag:s8] =	ssyncset.s32 @!p0 $0xFFFFF086;
	s6 =	sadd.s32 @!p0 s3, s7;
	s7 =	simm.s32 @!p0 $0x108  }
0x21: {  	s3 =	sadd.s32 s3, s9;
	s6 =	sadd.s32 @!p0 $0x88, s6;
	s7 =	simm.s32 @p2 $0x1082  }
0x22: {  	[simem:s7], [sflag:s8] =	dma.local @!p0 [hbm:s6], $0xF7A  }
0x23: {  	s9 =	sor.u32 $0xD0000000, s2;
	s6 =	simm.s32 $0x108;
	_ =	swait.ge @!p0 [sflag:s8], $0x0  }
0x24: {  	s3 =	sadd.s32 $0x88, s3;
	s6 =	simm.s32 @!p1 $0x1082;
	[sflag:s4] =	ssyncset.s32 $0xFFFFF086  }
0x25: {  	[simem:s6], [sflag:s4] =	dma.local [hbm:s3], $0xF7A  }
0x26: {  	[smem:$0x3F93] =	sst s1;
	(tag) =	ssettag s2;
	_ =	strace s9  }
0x27: {  	s1 =	sld [smem:$0x3FA3]  }
0x28: {  	s2 =	sld [smem:$0x3FA4]  }
0x29: {  	s4 =	sld [smem:$0x3FA6]  }
0x2a: {  	p0 =	seq.s32 s5, $0x0;
	s5 =	sld [smem:$0x3FA7]  }
0x2b: {  	s6 =	sld [smem:$0x3FA8]  }
0x2c: {  	s7 =	sld [smem:$0x3FA9]  }
0x2d: {  	s3 =	simm.s32 $0x108;
	s8 =	sld [smem:$0x3FAA]  }
0x2e: {  	s3 =	simm.s32 @!p0 $0x1082;
	s9 =	sld [smem:$0x3FAB]  }
0x2f: {  	lr =	sadd.s32 s0, s3;
	s0 =	sld [smem:$0x3FA2]  }
0x30: {  	s3 =	sld [smem:$0x3FA5]  }
0x31: {  	[smem:$0x3FAE] =	sst s10  }
0x32: {  	s10 =	sld [smem:$0x3FAC];
	_ =	sdelay $0x3  }
0x33: {  	p0 =	seq.s32 s10, $0x1;
	s10 =	sld [smem:$0x3FAE];
	_ =	sdelay $0x3  }
0x34: {  	[smem:$0x3FAE] =	sst s10  }
0x35: {  	s10 =	sld [smem:$0x3FAD];
	_ =	sdelay $0x3  }
0x36: {  	p1 =	seq.s32 s10, $0x1;
	s10 =	sld [smem:$0x3FAE];
	_ =	sdelay $0x3  }
0x37: {  	[smem:$0x3FAE] =	sst s10  }
0x38: {  	s10 =	sld [smem:$0x3FAF]  }
0x39: {  	_ = 	snop;
	(pc) =	sbr.ind lr, $3  }
0x3a: {  	_ = 	snop  }
0x3b: {  	_ = 	snop  }
0x3c: {  	p2 =	seq.s32 s10, $0x1;
	s10 =	sld [smem:$0x3FAE]  }
0x3d: {  	_ =	shalt  }
0x3e: {  	_ =	shalt  }
0x3f: {  	_ =	shalt  }
0x40: {  	_ =	shalt  }
0x41: {  	_ =	shalt  }
0x42: {  	_ =	shalt  }
0x43: {  	_ =	shalt  }
0x44: {  	_ =	shalt  }
0x45: {  	_ =	shalt  }
0x46: {  	_ =	shalt  }
0x47: {  	_ =	shalt  }
0x48: {  	_ =	shalt  }
0x49: {  	_ =	shalt  }
0x4a: {  	_ =	shalt  }
0x4b: {  	_ =	shalt  }
0x4c: {  	_ =	shalt  }
0x4d: {  	_ =	shalt  }
0x4e: {  	_ =	shalt  }
0x4f: {  	_ =	shalt  }
0x50: {  	_ =	shalt  }
0x51: {  	_ =	shalt  }
0x52: {  	_ =	shalt  }
0x53: {  	_ =	shalt  }
0x54: {  	_ =	shalt  }
0x55: {  	_ =	shalt  }
0x56: {  	_ =	shalt  }
0x57: {  	_ =	shalt  }
0x58: {  	_ =	shalt  }
0x59: {  	_ =	shalt  }
0x5a: {  	_ =	shalt  }
0x5b: {  	_ =	shalt  }
0x5c: {  	_ =	shalt  }
0x5d: {  	_ =	shalt  }
0x5e: {  	_ =	shalt  }
0x5f: {  	_ =	shalt  }
0x60: {  	_ =	shalt  }
0x61: {  	_ =	shalt  }
0x62: {  	_ =	shalt  }
0x63: {  	_ =	shalt  }
0x64: {  	_ =	shalt  }
0x65: {  	_ =	shalt  }
0x66: {  	_ =	shalt  }
0x67: {  	_ =	shalt  }
0x68: {  	_ =	shalt  }
0x69: {  	_ =	shalt  }
0x6a: {  	_ =	shalt  }
0x6b: {  	_ =	shalt  }
0x6c: {  	_ =	shalt  }
0x6d: {  	_ =	shalt  }
0x6e: {  	_ =	shalt  }
0x6f: {  	_ =	shalt  }
0x70: {  	_ =	shalt  }
0x71: {  	_ =	shalt  }
0x72: {  	_ =	shalt  }
0x73: {  	_ =	shalt  }
0x74: {  	_ =	shalt  }
0x75: {  	_ =	shalt  }
0x76: {  	_ =	shalt  }
0x77: {  	_ =	shalt  }
0x78: {  	_ =	shalt  }
0x79: {  	_ =	shalt  }
0x7a: {  	_ =	shalt  }
0x7b: {  	_ =	shalt  }
0x7c: {  	_ =	shalt  }
0x7d: {  	_ =	shalt  }
0x7e: {  	_ =	shalt  }
0x7f: {  	_ =	shalt  }
0x80: {  	_ =	shalt  }
0x81: {  	_ =	shalt  }
0x82: {  	_ =	shalt  }
0x83: {  	_ =	shalt  }
0x84: {  	_ =	shalt  }
0x85: {  	_ =	shalt  }
0x86: {  	_ =	shalt  }
0x87: {  	_ =	shalt  }
.Lfunc_end0:
.L_simem_size_0:
called_computation.2_lowered:
.L_overlay_start_0:
0x88: {  	s2 =	sld [smem:$0x3FD9]  }
0x89: {  	s3 =	sld [smem:$0x3FFE];
	_ =	sdelay $0x1  }
0x8a: {  	s1 =	srdreg.scid  }
0x8b: {  	s0 =	sand.u32 $0x1, s1  }
0x8c: {  	s17 =	sshll.u32 s0, $0xA;
	s2 =	sadd.s32 s3, s2  }
0x8d: {  	s2 =	sadd.s32 s2, s17  }
0x8e: {  	[smem:$0x3FBA] =	sst s2  }
0x8f: {  	_ = 	snop  }
0x90: {  	(tm) =	ssettm $0x1  }
0x91: {  	s18 =	sld [smem:$0x3FFB];
	_ =	sdelay $0x3  }
0x92: {  	_ =	strace s18  }
0x93: {  	s2 =	sld [smem:$0x3FFC];
	_ =	sdelay $0x3  }
0x94: {  	_ =	strace s2  }
0x95: {  	s2 =	sld [smem:$0x3FFD];
	_ =	sdelay $0x3  }
0x96: {  	_ =	strace s2  }
0x97: {  	_ =	strace $0x8FFFFFFF  }
0x98: {  	s19 =	sld [smem:$0x3FDB];
	_ =	sdelay $0x1  }
0x99: {  	s20 =	simm.s32 $_scs_section_size  }
0x9a: {  	s4 =	simm.s32 $_size__tile_overlayer_lowered;
	s5 =	simm.s32 $_tile_overlayer_lowered  }
0x9b: {  	s6 =	simm.s32 $0x1BFF;
	s21 =	sshll.u32 s5, $0x1;
	s3 =	sadd.s32 s20, s19  }
0x9c: {  	s22 =	simm.s32 $0x0;
	s4 =	sshll.u32 s4, $0x1;
	s5 =	sadd.s32 s21, s3  }
0x9d: {  	[timem:s22], [sflag:s6] =	dma.local [hbm:s5], s4  }
0x9e: {  	_ =	swait.ge [sflag:s6], s4  }
0x9f: {  	s4 =	ssub.s32 $0x0, s4;
	[sflag:s6] =	ssyncset.done $0x0  }
0xa0: {  	[sflag:s6] =	ssyncadd.s32 s4;
	_ =	sdelay $0x1  }
0xa1: {  	s23 =	simm.s32 $0x1B8B  }
0xa2: {  	_ =	swait.ge [sflag:s23], $0x1  }
0xa3: {  	[sflag:s23] =	ssyncset.done $0x0  }
0xa4: {  	[sflag:s23] =	ssyncadd.s32 $0xFFFFFFFF  }
0xa5: {  	s4 =	sld [smem:$0x0]  }
0xa6: {  	s5 =	sand.u32 $0xFFFFFFFE, s1  }
0xa7: {  	p0 =	sne.s32 s1, s5  }
0xa8: {  	s5 =	sshll.u32 @p0 s5, $0xE  }
0xa9: {  	s5 =	sadd.s32 @p0 $0x11B8D, s5;
	s6 =	sshll.u32 @p0 s4, $0x11  }
0xaa: {  	s5 =	sor.u32 @p0 s6, s5  }
0xab: {  	[sflag:s5] =	ssyncadd.remote.s32 @p0 $0x1;
	_ =	sdelay $0x1  }
0xac: {  	s5 =	simm.s32 @p0 $0x1B8D  }
0xad: {  	_ =	swait.eq @p0 [sflag:s5], $0x1  }
0xae: {  	[sflag:s5] =	ssyncadd.s32 @p0 $0xFFFFFFFF  }
0xaf: {  	s6 =	sshll.u32 @!p0 s1, $0xE  }
0xb0: {  	s6 =	sor.u32 @!p0 $0x4000, s6;
	s5 =	simm.s32 @!p0 $0x1B8D  }
0xb1: {  	s4 =	sshll.u32 @!p0 s4, $0x11;
	s6 =	sadd.s32 @!p0 $0x11B8D, s6;
	_ =	swait.eq @!p0 [sflag:s5], $0x1  }
0xb2: {  	s4 =	sor.u32 @!p0 s4, s6;
	[sflag:s5] =	ssyncadd.s32 @!p0 $0xFFFFFFFF  }
0xb3: {  	s25 =	simm.s32 $0x1B8E;
	s24 =	sld [smem:$0x3FFE];
	[sflag:s4] =	ssyncadd.remote.s32 @!p0 $0x1  }
0xb4: {  	s26 =	simm.s32 $execute0_lowered;
	[smem:$0x3FD2] =	sst s25  }
0xb5: {  	s5 =	sshll.u32 s26, $0x1;
	_ =	strace $0x8000004C;
	[dreg:$0x1] =	wrdreg $0xFFFFFFFF  }
0xb6: {  	s28 =	simm.s32 $_size_execute0_lowered;
	s3 =	sadd.s32 s3, s5;
	[dreg:$0x0] =	wrdreg $0x0  }
0xb7: {  	s5 =	sshll.u32 s28, $0x1;
	[dreg:$0x2] =	wrdreg s3  }
0xb8: {  	[dreg:$0x3] =	wrdreg s5  }
0xb9: {  	[dreg:$0x4] =	wrdreg $0xC0  }
0xba: {  	_ =	task [dreg:s22], $0x5FFFF  }
0xbb: {  	[dreg:$0x1] =	wrdreg $0xFFFFFFFF  }
0xbc: {  	[dreg:$0x0] =	wrdreg $0x60  }
0xbd: {  	[dreg:$0x2] =	wrdreg s24  }
0xbe: {  	[dreg:$0x3] =	wrdreg $0xB  }
0xbf: {  	_ =	task.clear_ibuf [dreg:s22], $0x4FFFF;
	_ =	strace $0x9000004C  }
0xc0: {  	s29 =	simm.s32 $0xB;
	_ =	strace $0x8000004E  }
0xc1: {  	_ =	swait.ge [sflag:s29], $0x1  }
0xc2: {  	[sflag:s29] =	ssyncadd.s32 $0xFFFFFFFF  }
0xc3: {  	_ =	strace $0x9000004E  }
0xc4: {  	_ =	sfence  }
0xc5: {  	s30 =	sld [smem:$0x0];
	_ =	sdelay $0x2  }
0xc6: {  	s31 =	sshll.u32 s1, $0xD;
	s1 =	sshrl.u32 s1, $0x2  }
0xc7: {  	s4 =	sand.u32 $0x4000, s31;
	s1 =	sadd.s32 s1, s30  }
0xc8: {  	s0 =	sor.u32 s4, s0;
	s1 =	sshll.u32 s1, $0x11  }
0xc9: {  	s0 =	sor.u32 s1, s0  }
0xca: {  	s0 =	sadd.s32 $0x8F2B, s0  }
0xcb: {  	[sflag:s0] =	ssyncadd.remote.s32 $0x1  }
0xcc: {  	_ =	sfence.sel $0xFFFF  }
0xcd: {  	[dreg:$0x0] =	wrdreg $0xFFFFFFFF;
	(pc) =	sbr.abs _section_cstart, $3  }
0xce: {  	[dreg:$0x1] =	wrdreg $0xFFFFFFFF  }
0xcf: {  	_ =	task.clear_ibuf [dreg:s22], $0x2FFFF;
	_ =	strace $0x9FFFFFFF  }
0xd0: {  	(tm) =	ssettm $0x7FFFFFFF  }
0xd1: {  	_ =	shalt  }
tec
execute0_lowered:
.L_overlay_start_1:
0x0: {  	(tag) =	ssettag $0x1  }
0x1: {  	s1 =	srdreg.scid  }
0x2: {  	s0 =	stileid.u32;
	s6 =	sand.u32 $0x1, s1  }
0x3: {  	s8 =	rddreg [dreg:$0x0];
	s30 =	sshll.u32 s0, $0xA;
	s2 =	sshll.u32 s6, $0x9  }
0x4: {  	s7 =	simm.s32 $0x1;
	s1 =	rddreg [dreg:$0x1];
	s9 =	sor.u32 s2, s30  }
0x5: {  	s5 =	sadd.s32 $0x2FEE00, s8;
	s2 =	simm.s32 $0x0;
	s3 =	sshrl.u32 s9, $0x3  }
0x6: {  	s10 =	ssub.s32 $0x2, s6;
	[smem:$0x7FF] =	sst s2;
	s3 =	sadd.s32 s3, s8  }
0x7: {  	_ =	strace $0x8000004D;
	s4 =	sadd.s32 $0x178400, s3;
	s3 =	simm.s32 $0x2  }
0x8: {  	[tilespmem:s2], [sflag:$0x2] =	stream.linear.gather [hbm4b:s4+s2], $0x200, $0x38;
	[tilespmem:$0x10200] =	vst v63  }
0x9: {  	s6 =	simm.s32 $0x200;
	s11 =	sshrl.u32 s10, $0x1;
	_ =	swait.ge [sflag:s3], $0x200  }
0xa: {  	s9 =	sshll.u32 s9, $0x4;
	s31 =	ssub.s32 s10, s11;
	[sflag:s3] =	ssyncset.done $0x0  }
0xb: {  	s8 =	sadd.s32 s9, s8;
	s9 =	smax.u32 s31, $0x1;
	[sflag:s3] =	ssyncadd.s32 $0xFFFFFE00  }
0xc: {  	[tilespmem:s6], [sflag:$0x1] =	stream.indirect.gather [hbm4b:s5+s6], $0x80, s2, s6, $0xb8;
	[tilespmem:$0x10200] =	vst v63  }
0xd: {  	p0 =	sne.s32 s9, $0x1;
	_ =	swait.ge [sflag:s7], $0x10000  }
.Ltmp0:
0xe: {  	[sflag:s7] =	ssyncset.done $0x0;
	(pc) =	sbr.rel @!p0 .LBB2_2-.Ltmp0, $4  }
0xf: {  	s8 =	sadd.s32 $0x178C00, s8;
	[sflag:s7] =	ssyncadd.s32 $0xFFFF0000  }
0x10: {  	[hbm4b:s8+s2] =	stream.linear.scatter [tilespmem:s6], [sflag:$0x2], $0x10000, $0x38;
	[tilespmem:$0x10200] =	vst v63  }
0x11: {  	_ =	swait.ge [sflag:s3], $0x10000  }
0x12: {  	s9 =	sadd.s32 $0xFFFFFFFF, s9;
	[sflag:s3] =	ssyncset.done $0x0  }
.LBB2_1:
0x13: {  	p0 =	sne.s32 s9, $0x1;
	s9 =	sadd.s32 $0xFFFFFFFF, s9;
	[sflag:s3] =	ssyncadd.s32 $0xFFFF0000  }
0x14: {  	[tilespmem:s2], [sflag:$0x2] =	stream.linear.gather [hbm4b:s4+s2], $0x200, $0x38;
	[tilespmem:$0x10200] =	vst v63  }
0x15: {  	_ =	swait.ge [sflag:s3], $0x200  }
0x16: {  	[sflag:s3] =	ssyncset.done $0x0  }
0x17: {  	[sflag:s3] =	ssyncadd.s32 $0xFFFFFE00  }
0x18: {  	[tilespmem:s6], [sflag:$0x1] =	stream.indirect.gather [hbm4b:s5+s6], $0x80, s2, s6, $0xb8;
	[tilespmem:$0x10200] =	vst v63  }
0x19: {  	_ =	swait.ge [sflag:s7], $0x10000  }
.Ltmp1:
0x1a: {  	[sflag:s7] =	ssyncset.done $0x0;
	(pc) =	sbr.rel @p0 .LBB2_1-.Ltmp1, $4  }
0x1b: {  	[sflag:s7] =	ssyncadd.s32 $0xFFFF0000  }
0x1c: {  	[hbm4b:s8+s2] =	stream.linear.scatter [tilespmem:s6], [sflag:$0x2], $0x10000, $0x38;
	[tilespmem:$0x10200] =	vst v63  }
0x1d: {  	_ =	swait.ge [sflag:s3], $0x10000  }
0x1e: {  	[sflag:s3] =	ssyncset.done $0x0  }
.LBB2_2:
0x1f: {  	[sflag:s3] =	ssyncadd.s32 $0xFFFF0000  }
0x20: {  	_ =	sfence.sel $0x180000  }
0x21: {  	[bflag:$0x0] =	sbarrier.arrive $0xFFFF  }
0x22: {  	p0 =	sne.s32 s0, $0x0;
	_ =	strace $0x9000004D  }
0x23: {  	s0 =	sadd.s32 @!p0 $0x100000, s1;
	[bflag:$0x2] =	sbarrier.arrive $0xFFFF  }
0x24: {  	[sflag:s0] =	ssyncadd.tile.s32 @!p0 $0x1;
	_ =	shalt  }
.Lfunc_end2:
_tile_overlayer_lowered:
.L_overlay_start_2:
0x25: {  	(tag) =	ssettag $0x2  }
0x26: {  	s0 =	rddreg [dreg:$0x0];
	s2 =	stileid.u32  }
0x27: {  	s1 =	rddreg [dreg:$0x1];
	p0 =	sne.s32 s2, $0x0  }
0x28: {  	s3 =	rddreg [dreg:$0x2];
	[bflag:$0x3] =	sbarrier.arrive $0xFFFF;
	s2 =	simm.s32 @!p0 $0x1C02  }
0x29: {  	[timem:s3], [sflag:s2] =	dma.local @!p0 [hbm:s0], s1  }
0x2a: {  	s0 =	simm.s32 @!p0 $0x2  }
0x2b: {  	_ =	swait.ge @!p0 [sflag:s0], s1  }
0x2c: {  	s1 =	ssub.s32 @!p0 $0x0, s1;
	[sflag:s0] =	ssyncset.done @!p0 $0x0  }
0x2d: {  	[sflag:s0] =	ssyncadd.s32 @!p0 s1  }
0x2e: {  	[bflag:$0x3] =	sbarrier.arrive $0xFFFF  }
0x2f: {  	_ =	shalt  }

// kernel: kernel.6.cloned.1.call-start
scs
__scs_entry_jumppad:
0x0: {  	(pc) =	sbr.rel $0x88, $3  }
0x1: {  	(tag) =	ssettag $0x0;
	lr =	simm.s32 $0x1  }
0x2: {  	[smem:$0x3F93] =	sst lr;
	_ =	strace $0xD0000000  }
0x3: {  	_ = 	snop  }
0x4: {  	_ = 	snop  }
0x5: {  	_ = 	snop  }
0x6: {  	_ = 	snop  }
0x7: {  	_ = 	snop  }
__scs_overlays_trampoline_lowered:
0x8: {  	[smem:$0x3FA2] =	sst s0  }
0x9: {  	[smem:$0x3FA3] =	sst s1  }
0xa: {  	[smem:$0x3FA4] =	sst s2  }
0xb: {  	[smem:$0x3FA5] =	sst s3  }
0xc: {  	[smem:$0x3FA6] =	sst s4  }
0xd: {  	[smem:$0x3FA7] =	sst s5  }
0xe: {  	[smem:$0x3FA8] =	sst s6  }
0xf: {  	[smem:$0x3FA9] =	sst s7  }
0x10: {  	[smem:$0x3FAA] =	sst s8  }
0x11: {  	[smem:$0x3FAB] =	sst s9;
	s0 =	simm.s32 @!p0 $0x0  }
0x12: {  	s1 =	sld [smem:$0x3F91];
	s0 =	simm.s32 @p0 $0x1  }
0x13: {  	[smem:$0x3FAC] =	sst s0;
	s0 =	simm.s32 @!p1 $0x0  }
0x14: {  	s2 =	sld [smem:$0x3F90];
	s0 =	simm.s32 @p1 $0x1  }
0x15: {  	[smem:$0x3FAD] =	sst s0;
	s0 =	simm.s32 @!p2 $0x0  }
0x16: {  	s3 =	sld [smem:$0x3FDB];
	s0 =	simm.s32 @p2 $0x1  }
0x17: {  	s4 =	simm.s32 $0x1BF5;
	[smem:$0x3FAF] =	sst s0  }
0x18: {  	s0 =	sld [smem:$0x3F92];
	_ =	swait.ge [sflag:s4], $0x0  }
0x19: {  	s7 =	sld [smem:$0x3F93]  }
0x1a: {  	s8 =	sadd.s32 $0xFFFFE003, lr  }
0x1b: {  	s9 =	sadd.s32 $0xFFFFFEF7, lr;
	s5 =	simm.s32 $0xFFFFFFFF;
	p2 =	slt.u32 s8, $0xFFFFF086  }
0x1c: {  	p1 =	slt.u32 s9, $0xF7A;
	s5 =	simm.s32 @!p2 $0x0  }
0x1d: {  	s5 =	simm.s32 @p1 $0x1;
	p0 =	seq.s32 s7, s2  }
0x1e: {  	s7 =	smul.u32 @!p0 $0xF7A, s2;
	p2 =	seq.s32 @!p0 s5, $0x0  }
0x1f: {  	s9 =	smul.u32 $0xF7A, s1;
	s8 =	simm.s32 @!p0 $0x1BF5;
	p2 =	por !p2, p0  }
0x20: {  	[sflag:s8] =	ssyncset.s32 @!p0 $0xFFFFF086;
	s6 =	sadd.s32 @!p0 s3, s7;
	s7 =	simm.s32 @!p0 $0x108  }
0x21: {  	s3 =	sadd.s32 s3, s9;
	s6 =	sadd.s32 @!p0 $0x88, s6;
	s7 =	simm.s32 @p2 $0x1082  }
0x22: {  	[simem:s7], [sflag:s8] =	dma.local @!p0 [hbm:s6], $0xF7A  }
0x23: {  	s9 =	sor.u32 $0xD0000000, s2;
	s6 =	simm.s32 $0x108;
	_ =	swait.ge @!p0 [sflag:s8], $0x0  }
0x24: {  	s3 =	sadd.s32 $0x88, s3;
	s6 =	simm.s32 @!p1 $0x1082;
	[sflag:s4] =	ssyncset.s32 $0xFFFFF086  }
0x25: {  	[simem:s6], [sflag:s4] =	dma.local [hbm:s3], $0xF7A  }
0x26: {  	[smem:$0x3F93] =	sst s1;
	(tag) =	ssettag s2;
	_ =	strace s9  }
0x27: {  	s1 =	sld [smem:$0x3FA3]  }
0x28: {  	s2 =	sld [smem:$0x3FA4]  }
0x29: {  	s4 =	sld [smem:$0x3FA6]  }
0x2a: {  	p0 =	seq.s32 s5, $0x0;
	s5 =	sld [smem:$0x3FA7]  }
0x2b: {  	s6 =	sld [smem:$0x3FA8]  }
0x2c: {  	s7 =	sld [smem:$0x3FA9]  }
0x2d: {  	s3 =	simm.s32 $0x108;
	s8 =	sld [smem:$0x3FAA]  }
0x2e: {  	s3 =	simm.s32 @!p0 $0x1082;
	s9 =	sld [smem:$0x3FAB]  }
0x2f: {  	lr =	sadd.s32 s0, s3;
	s0 =	sld [smem:$0x3FA2]  }
0x30: {  	s3 =	sld [smem:$0x3FA5]  }
0x31: {  	[smem:$0x3FAE] =	sst s10  }
0x32: {  	s10 =	sld [smem:$0x3FAC];
	_ =	sdelay $0x3  }
0x33: {  	p0 =	seq.s32 s10, $0x1;
	s10 =	sld [smem:$0x3FAE];
	_ =	sdelay $0x3  }
0x34: {  	[smem:$0x3FAE] =	sst s10  }
0x35: {  	s10 =	sld [smem:$0x3FAD];
	_ =	sdelay $0x3  }
0x36: {  	p1 =	seq.s32 s10, $0x1;
	s10 =	sld [smem:$0x3FAE];
	_ =	sdelay $0x3  }
0x37: {  	[smem:$0x3FAE] =	sst s10  }
0x38: {  	s10 =	sld [smem:$0x3FAF]  }
0x39: {  	_ = 	snop;
	(pc) =	sbr.ind lr, $3  }
0x3a: {  	_ = 	snop  }
0x3b: {  	_ = 	snop  }
0x3c: {  	p2 =	seq.s32 s10, $0x1;
	s10 =	sld [smem:$0x3FAE]  }
0x3d: {  	_ =	shalt  }
0x3e: {  	_ =	shalt  }
0x3f: {  	_ =	shalt  }
0x40: {  	_ =	shalt  }
0x41: {  	_ =	shalt  }
0x42: {  	_ =	shalt  }
0x43: {  	_ =	shalt  }
0x44: {  	_ =	shalt  }
0x45: {  	_ =	shalt  }
0x46: {  	_ =	shalt  }
0x47: {  	_ =	shalt  }
0x48: {  	_ =	shalt  }
0x49: {  	_ =	shalt  }
0x4a: {  	_ =	shalt  }
0x4b: {  	_ =	shalt  }
0x4c: {  	_ =	shalt  }
0x4d: {  	_ =	shalt  }
0x4e: {  	_ =	shalt  }
0x4f: {  	_ =	shalt  }
0x50: {  	_ =	shalt  }
0x51: {  	_ =	shalt  }
0x52: {  	_ =	shalt  }
0x53: {  	_ =	shalt  }
0x54: {  	_ =	shalt  }
0x55: {  	_ =	shalt  }
0x56: {  	_ =	shalt  }
0x57: {  	_ =	shalt  }
0x58: {  	_ =	shalt  }
0x59: {  	_ =	shalt  }
0x5a: {  	_ =	shalt  }
0x5b: {  	_ =	shalt  }
0x5c: {  	_ =	shalt  }
0x5d: {  	_ =	shalt  }
0x5e: {  	_ =	shalt  }
0x5f: {  	_ =	shalt  }
0x60: {  	_ =	shalt  }
0x61: {  	_ =	shalt  }
0x62: {  	_ =	shalt  }
0x63: {  	_ =	shalt  }
0x64: {  	_ =	shalt  }
0x65: {  	_ =	shalt  }
0x66: {  	_ =	shalt  }
0x67: {  	_ =	shalt  }
0x68: {  	_ =	shalt  }
0x69: {  	_ =	shalt  }
0x6a: {  	_ =	shalt  }
0x6b: {  	_ =	shalt  }
0x6c: {  	_ =	shalt  }
0x6d: {  	_ =	shalt  }
0x6e: {  	_ =	shalt  }
0x6f: {  	_ =	shalt  }
0x70: {  	_ =	shalt  }
0x71: {  	_ =	shalt  }
0x72: {  	_ =	shalt  }
0x73: {  	_ =	shalt  }
0x74: {  	_ =	shalt  }
0x75: {  	_ =	shalt  }
0x76: {  	_ =	shalt  }
0x77: {  	_ =	shalt  }
0x78: {  	_ =	shalt  }
0x79: {  	_ =	shalt  }
0x7a: {  	_ =	shalt  }
0x7b: {  	_ =	shalt  }
0x7c: {  	_ =	shalt  }
0x7d: {  	_ =	shalt  }
0x7e: {  	_ =	shalt  }
0x7f: {  	_ =	shalt  }
0x80: {  	_ =	shalt  }
0x81: {  	_ =	shalt  }
0x82: {  	_ =	shalt  }
0x83: {  	_ =	shalt  }
0x84: {  	_ =	shalt  }
0x85: {  	_ =	shalt  }
0x86: {  	_ =	shalt  }
0x87: {  	_ =	shalt  }
.Lfunc_end0:
.L_simem_size_0:
called_computation_lowered:
.L_overlay_start_0:
0x88: {  	s2 =	sld [smem:$0x3FD9]  }
0x89: {  	s3 =	sld [smem:$0x3FFE];
	_ =	sdelay $0x1  }
0x8a: {  	s1 =	srdreg.scid  }
0x8b: {  	s0 =	sand.u32 $0x1, s1  }
0x8c: {  	s16 =	sshll.u32 s0, $0xA;
	s2 =	sadd.s32 s3, s2  }
0x8d: {  	s2 =	sadd.s32 s2, s16  }
0x8e: {  	[smem:$0x3FBA] =	sst s2  }
0x8f: {  	_ = 	snop  }
0x90: {  	(tm) =	ssettm $0x1  }
0x91: {  	s17 =	sld [smem:$0x3FFB];
	_ =	sdelay $0x3  }
0x92: {  	_ =	strace s17  }
0x93: {  	s2 =	sld [smem:$0x3FFC];
	_ =	sdelay $0x3  }
0x94: {  	_ =	strace s2  }
0x95: {  	s2 =	sld [smem:$0x3FFD];
	_ =	sdelay $0x3  }
0x96: {  	_ =	strace s2  }
0x97: {  	_ =	strace $0x8FFFFFFF  }
0x98: {  	s18 =	sld [smem:$0x3FDB];
	_ =	sdelay $0x1  }
0x99: {  	s19 =	simm.s32 $_scs_section_size  }
0x9a: {  	s4 =	simm.s32 $_size__tile_overlayer_lowered;
	s5 =	simm.s32 $_tile_overlayer_lowered  }
0x9b: {  	s22 =	simm.s32 $0x1BFF;
	s21 =	sshll.u32 s5, $0x1;
	s2 =	sadd.s32 s19, s18  }
0x9c: {  	s6 =	simm.s32 $0x0;
	s20 =	sshll.u32 s4, $0x1;
	s4 =	sadd.s32 s21, s2  }
0x9d: {  	[timem:s6], [sflag:s22] =	dma.local [hbm:s4], s20  }
0x9e: {  	_ =	swait.ge [sflag:s22], s20  }
0x9f: {  	s3 =	ssub.s32 $0x0, s20;
	[sflag:s22] =	ssyncset.done $0x0  }
0xa0: {  	[sflag:s22] =	ssyncadd.s32 s3;
	_ =	sdelay $0x1  }
0xa1: {  	s23 =	simm.s32 $0x1B8B  }
0xa2: {  	_ =	swait.ge [sflag:s23], $0x1  }
0xa3: {  	[sflag:s23] =	ssyncset.done $0x0  }
0xa4: {  	s25 =	simm.s32 $0x1B8E;
	s24 =	sld [smem:$0x3FFE];
	[sflag:s23] =	ssyncadd.s32 $0xFFFFFFFF  }
0xa5: {  	s26 =	simm.s32 $execute0_lowered;
	[smem:$0x3FD2] =	sst s25  }
0xa6: {  	s4 =	sshll.u32 s26, $0x1;
	_ =	strace $0x80000046;
	[dreg:$0x1] =	wrdreg $0xFFFFFFFF  }
0xa7: {  	s28 =	simm.s32 $_size_execute0_lowered;
	s2 =	sadd.s32 s2, s4;
	[dreg:$0x0] =	wrdreg $0x0  }
0xa8: {  	s4 =	sshll.u32 s28, $0x1;
	[dreg:$0x2] =	wrdreg s2  }
0xa9: {  	[dreg:$0x3] =	wrdreg s4  }
0xaa: {  	[dreg:$0x4] =	wrdreg $0xC0  }
0xab: {  	_ =	task [dreg:s6], $0x5FFFF  }
0xac: {  	[dreg:$0x1] =	wrdreg $0xFFFFFFFF  }
0xad: {  	[dreg:$0x0] =	wrdreg $0x60  }
0xae: {  	[dreg:$0x2] =	wrdreg s24  }
0xaf: {  	[dreg:$0x3] =	wrdreg $0x9  }
0xb0: {  	_ =	task.clear_ibuf [dreg:s6], $0x4FFFF;
	_ =	strace $0x90000046  }
0xb1: {  	s29 =	simm.s32 $0x9;
	_ =	strace $0x80000048  }
0xb2: {  	_ =	swait.ge [sflag:s29], $0x1  }
0xb3: {  	[sflag:s29] =	ssyncadd.s32 $0xFFFFFFFF  }
0xb4: {  	_ =	strace $0x90000048  }
0xb5: {  	_ =	sfence  }
0xb6: {  	s30 =	sld [smem:$0x0];
	_ =	sdelay $0x2  }
0xb7: {  	s31 =	sshll.u32 s1, $0xD;
	s1 =	sshrl.u32 s1, $0x2  }
0xb8: {  	s3 =	sand.u32 $0x4000, s31;
	s1 =	sadd.s32 s1, s30  }
0xb9: {  	s0 =	sor.u32 s3, s0;
	s1 =	sshll.u32 s1, $0x11  }
0xba: {  	s0 =	sor.u32 s1, s0  }
0xbb: {  	s0 =	sadd.s32 $0x8F2B, s0  }
0xbc: {  	[sflag:s0] =	ssyncadd.remote.s32 $0x1  }
0xbd: {  	_ =	sfence.sel $0xFFFF  }
0xbe: {  	[dreg:$0x0] =	wrdreg $0xFFFFFFFF;
	(pc) =	sbr.abs _section_cstart, $3  }
0xbf: {  	[dreg:$0x1] =	wrdreg $0xFFFFFFFF  }
0xc0: {  	_ =	task.clear_ibuf [dreg:s6], $0x2FFFF;
	_ =	strace $0x9FFFFFFF  }
0xc1: {  	(tm) =	ssettm $0x7FFFFFFF  }
tec
execute0_lowered:
.L_overlay_start_1:
0x0: {  	(tag) =	ssettag $0x1  }
0x1: {  	s1 =	srdreg.scid  }
0x2: {  	s0 =	stileid.u32;
	s6 =	sand.u32 $0x1, s1  }
0x3: {  	s8 =	rddreg [dreg:$0x0];
	s30 =	sshll.u32 s0, $0xA;
	s2 =	sshll.u32 s6, $0x9  }
0x4: {  	s7 =	simm.s32 $0x1;
	s1 =	rddreg [dreg:$0x1];
	s9 =	sor.u32 s2, s30  }
0x5: {  	s5 =	sadd.s32 $0xF45C00, s8;
	s2 =	simm.s32 $0x0;
	s3 =	sshrl.u32 s9, $0x3  }
0x6: {  	s10 =	ssub.s32 $0x2, s6;
	[smem:$0x7FF] =	sst s2;
	s3 =	sadd.s32 s3, s8  }
0x7: {  	_ =	strace $0x80000047;
	s4 =	sadd.s32 $0x3000, s3;
	s3 =	simm.s32 $0x2  }
0x8: {  	[tilespmem:s2], [sflag:$0x2] =	stream.linear.gather [hbm4b:s4+s2], $0x200, $0x38;
	[tilespmem:$0x10200] =	vst v63  }
0x9: {  	s6 =	simm.s32 $0x200;
	s11 =	sshrl.u32 s10, $0x1;
	_ =	swait.ge [sflag:s3], $0x200  }
0xa: {  	s9 =	sshll.u32 s9, $0x4;
	s31 =	ssub.s32 s10, s11;
	[sflag:s3] =	ssyncset.done $0x0  }
0xb: {  	s8 =	sadd.s32 s9, s8;
	s9 =	smax.u32 s31, $0x1;
	[sflag:s3] =	ssyncadd.s32 $0xFFFFFE00  }
0xc: {  	[tilespmem:s6], [sflag:$0x1] =	stream.indirect.gather [hbm4b:s5+s6], $0x80, s2, s6, $0xb8;
	[tilespmem:$0x10200] =	vst v63  }
0xd: {  	p0 =	sne.s32 s9, $0x1;
	_ =	swait.ge [sflag:s7], $0x10000  }
.Ltmp0:
0xe: {  	[sflag:s7] =	ssyncset.done $0x0;
	(pc) =	sbr.rel @!p0 .LBB2_2-.Ltmp0, $4  }
0xf: {  	s8 =	sadd.s32 $0x3800, s8;
	[sflag:s7] =	ssyncadd.s32 $0xFFFF0000  }
0x10: {  	[hbm4b:s8+s2] =	stream.linear.scatter [tilespmem:s6], [sflag:$0x2], $0x10000, $0x38;
	[tilespmem:$0x10200] =	vst v63  }
0x11: {  	_ =	swait.ge [sflag:s3], $0x10000  }
0x12: {  	s9 =	sadd.s32 $0xFFFFFFFF, s9;
	[sflag:s3] =	ssyncset.done $0x0  }
.LBB2_1:
0x13: {  	p0 =	sne.s32 s9, $0x1;
	s9 =	sadd.s32 $0xFFFFFFFF, s9;
	[sflag:s3] =	ssyncadd.s32 $0xFFFF0000  }
0x14: {  	[tilespmem:s2], [sflag:$0x2] =	stream.linear.gather [hbm4b:s4+s2], $0x200, $0x38;
	[tilespmem:$0x10200] =	vst v63  }
0x15: {  	_ =	swait.ge [sflag:s3], $0x200  }
0x16: {  	[sflag:s3] =	ssyncset.done $0x0  }
0x17: {  	[sflag:s3] =	ssyncadd.s32 $0xFFFFFE00  }
0x18: {  	[tilespmem:s6], [sflag:$0x1] =	stream.indirect.gather [hbm4b:s5+s6], $0x80, s2, s6, $0xb8;
	[tilespmem:$0x10200] =	vst v63  }
0x19: {  	_ =	swait.ge [sflag:s7], $0x10000  }
.Ltmp1:
0x1a: {  	[sflag:s7] =	ssyncset.done $0x0;
	(pc) =	sbr.rel @p0 .LBB2_1-.Ltmp1, $4  }
0x1b: {  	[sflag:s7] =	ssyncadd.s32 $0xFFFF0000  }
0x1c: {  	[hbm4b:s8+s2] =	stream.linear.scatter [tilespmem:s6], [sflag:$0x2], $0x10000, $0x38;
	[tilespmem:$0x10200] =	vst v63  }
0x1d: {  	_ =	swait.ge [sflag:s3], $0x10000  }
0x1e: {  	[sflag:s3] =	ssyncset.done $0x0  }
.LBB2_2:
0x1f: {  	[sflag:s3] =	ssyncadd.s32 $0xFFFF0000  }
0x20: {  	_ =	sfence.sel $0x180000  }
0x21: {  	[bflag:$0x0] =	sbarrier.arrive $0xFFFF  }
0x22: {  	p0 =	sne.s32 s0, $0x0;
	_ =	strace $0x90000047  }
0x23: {  	s0 =	sadd.s32 @!p0 $0x100000, s1;
	[bflag:$0x2] =	sbarrier.arrive $0xFFFF  }
0x24: {  	[sflag:s0] =	ssyncadd.tile.s32 @!p0 $0x1;
	_ =	shalt  }
.Lfunc_end2:
_tile_overlayer_lowered:
.L_overlay_start_2:
0x25: {  	(tag) =	ssettag $0x2  }
0x26: {  	s0 =	rddreg [dreg:$0x0];
	s2 =	stileid.u32  }
0x27: {  	s1 =	rddreg [dreg:$0x1];
	p0 =	sne.s32 s2, $0x0  }
0x28: {  	s3 =	rddreg [dreg:$0x2];
	[bflag:$0x3] =	sbarrier.arrive $0xFFFF;
	s2 =	simm.s32 @!p0 $0x1C02  }
0x29: {  	[timem:s3], [sflag:s2] =	dma.local @!p0 [hbm:s0], s1  }
0x2a: {  	s0 =	simm.s32 @!p0 $0x2  }
0x2b: {  	_ =	swait.ge @!p0 [sflag:s0], s1  }
0x2c: {  	s1 =	ssub.s32 @!p0 $0x0, s1;
	[sflag:s0] =	ssyncset.done @!p0 $0x0  }
0x2d: {  	[sflag:s0] =	ssyncadd.s32 @!p0 s1  }
0x2e: {  	[bflag:$0x3] =	sbarrier.arrive $0xFFFF  }
0x2f: {  	_ =	shalt  }

// kernel: kernel.9.cloned.1.call-start
scs
__scs_entry_jumppad:
0x0: {  	(pc) =	sbr.rel $0x88, $3  }
0x1: {  	(tag) =	ssettag $0x0;
	lr =	simm.s32 $0x1  }
0x2: {  	[smem:$0x3F93] =	sst lr;
	_ =	strace $0xD0000000  }
0x3: {  	_ = 	snop  }
0x4: {  	_ = 	snop  }
0x5: {  	_ = 	snop  }
0x6: {  	_ = 	snop  }
0x7: {  	_ = 	snop  }
__scs_overlays_trampoline_lowered:
0x8: {  	[smem:$0x3FA2] =	sst s0  }
0x9: {  	[smem:$0x3FA3] =	sst s1  }
0xa: {  	[smem:$0x3FA4] =	sst s2  }
0xb: {  	[smem:$0x3FA5] =	sst s3  }
0xc: {  	[smem:$0x3FA6] =	sst s4  }
0xd: {  	[smem:$0x3FA7] =	sst s5  }
0xe: {  	[smem:$0x3FA8] =	sst s6  }
0xf: {  	[smem:$0x3FA9] =	sst s7  }
0x10: {  	[smem:$0x3FAA] =	sst s8  }
0x11: {  	[smem:$0x3FAB] =	sst s9;
	s0 =	simm.s32 @!p0 $0x0  }
0x12: {  	s1 =	sld [smem:$0x3F91];
	s0 =	simm.s32 @p0 $0x1  }
0x13: {  	[smem:$0x3FAC] =	sst s0;
	s0 =	simm.s32 @!p1 $0x0  }
0x14: {  	s2 =	sld [smem:$0x3F90];
	s0 =	simm.s32 @p1 $0x1  }
0x15: {  	[smem:$0x3FAD] =	sst s0;
	s0 =	simm.s32 @!p2 $0x0  }
0x16: {  	s3 =	sld [smem:$0x3FDB];
	s0 =	simm.s32 @p2 $0x1  }
0x17: {  	s4 =	simm.s32 $0x1BF5;
	[smem:$0x3FAF] =	sst s0  }
0x18: {  	s0 =	sld [smem:$0x3F92];
	_ =	swait.ge [sflag:s4], $0x0  }
0x19: {  	s7 =	sld [smem:$0x3F93]  }
0x1a: {  	s8 =	sadd.s32 $0xFFFFE003, lr  }
0x1b: {  	s9 =	sadd.s32 $0xFFFFFEF7, lr;
	s5 =	simm.s32 $0xFFFFFFFF;
	p2 =	slt.u32 s8, $0xFFFFF086  }
0x1c: {  	p1 =	slt.u32 s9, $0xF7A;
	s5 =	simm.s32 @!p2 $0x0  }
0x1d: {  	s5 =	simm.s32 @p1 $0x1;
	p0 =	seq.s32 s7, s2  }
0x1e: {  	s7 =	smul.u32 @!p0 $0xF7A, s2;
	p2 =	seq.s32 @!p0 s5, $0x0  }
0x1f: {  	s9 =	smul.u32 $0xF7A, s1;
	s8 =	simm.s32 @!p0 $0x1BF5;
	p2 =	por !p2, p0  }
0x20: {  	[sflag:s8] =	ssyncset.s32 @!p0 $0xFFFFF086;
	s6 =	sadd.s32 @!p0 s3, s7;
	s7 =	simm.s32 @!p0 $0x108  }
0x21: {  	s3 =	sadd.s32 s3, s9;
	s6 =	sadd.s32 @!p0 $0x88, s6;
	s7 =	simm.s32 @p2 $0x1082  }
0x22: {  	[simem:s7], [sflag:s8] =	dma.local @!p0 [hbm:s6], $0xF7A  }
0x23: {  	s9 =	sor.u32 $0xD0000000, s2;
	s6 =	simm.s32 $0x108;
	_ =	swait.ge @!p0 [sflag:s8], $0x0  }
0x24: {  	s3 =	sadd.s32 $0x88, s3;
	s6 =	simm.s32 @!p1 $0x1082;
	[sflag:s4] =	ssyncset.s32 $0xFFFFF086  }
0x25: {  	[simem:s6], [sflag:s4] =	dma.local [hbm:s3], $0xF7A  }
0x26: {  	[smem:$0x3F93] =	sst s1;
	(tag) =	ssettag s2;
	_ =	strace s9  }
0x27: {  	s1 =	sld [smem:$0x3FA3]  }
0x28: {  	s2 =	sld [smem:$0x3FA4]  }
0x29: {  	s4 =	sld [smem:$0x3FA6]  }
0x2a: {  	p0 =	seq.s32 s5, $0x0;
	s5 =	sld [smem:$0x3FA7]  }
0x2b: {  	s6 =	sld [smem:$0x3FA8]  }
0x2c: {  	s7 =	sld [smem:$0x3FA9]  }
0x2d: {  	s3 =	simm.s32 $0x108;
	s8 =	sld [smem:$0x3FAA]  }
0x2e: {  	s3 =	simm.s32 @!p0 $0x1082;
	s9 =	sld [smem:$0x3FAB]  }
0x2f: {  	lr =	sadd.s32 s0, s3;
	s0 =	sld [smem:$0x3FA2]  }
0x30: {  	s3 =	sld [smem:$0x3FA5]  }
0x31: {  	[smem:$0x3FAE] =	sst s10  }
0x32: {  	s10 =	sld [smem:$0x3FAC];
	_ =	sdelay $0x3  }
0x33: {  	p0 =	seq.s32 s10, $0x1;
	s10 =	sld [smem:$0x3FAE];
	_ =	sdelay $0x3  }
0x34: {  	[smem:$0x3FAE] =	sst s10  }
0x35: {  	s10 =	sld [smem:$0x3FAD];
	_ =	sdelay $0x3  }
0x36: {  	p1 =	seq.s32 s10, $0x1;
	s10 =	sld [smem:$0x3FAE];
	_ =	sdelay $0x3  }
0x37: {  	[smem:$0x3FAE] =	sst s10  }
0x38: {  	s10 =	sld [smem:$0x3FAF]  }
0x39: {  	_ = 	snop;
	(pc) =	sbr.ind lr, $3  }
0x3a: {  	_ = 	snop  }
0x3b: {  	_ = 	snop  }
0x3c: {  	p2 =	seq.s32 s10, $0x1;
	s10 =	sld [smem:$0x3FAE]  }
0x3d: {  	_ =	shalt  }
0x3e: {  	_ =	shalt  }
0x3f: {  	_ =	shalt  }
0x40: {  	_ =	shalt  }
0x41: {  	_ =	shalt  }
0x42: {  	_ =	shalt  }
0x43: {  	_ =	shalt  }
0x44: {  	_ =	shalt  }
0x45: {  	_ =	shalt  }
0x46: {  	_ =	shalt  }
0x47: {  	_ =	shalt  }
0x48: {  	_ =	shalt  }
0x49: {  	_ =	shalt  }
0x4a: {  	_ =	shalt  }
0x4b: {  	_ =	shalt  }
0x4c: {  	_ =	shalt  }
0x4d: {  	_ =	shalt  }
0x4e: {  	_ =	shalt  }
0x4f: {  	_ =	shalt  }
0x50: {  	_ =	shalt  }
0x51: {  	_ =	shalt  }
0x52: {  	_ =	shalt  }
0x53: {  	_ =	shalt  }
0x54: {  	_ =	shalt  }
0x55: {  	_ =	shalt  }
0x56: {  	_ =	shalt  }
0x57: {  	_ =	shalt  }
0x58: {  	_ =	shalt  }
0x59: {  	_ =	shalt  }
0x5a: {  	_ =	shalt  }
0x5b: {  	_ =	shalt  }
0x5c: {  	_ =	shalt  }
0x5d: {  	_ =	shalt  }
0x5e: {  	_ =	shalt  }
0x5f: {  	_ =	shalt  }
0x60: {  	_ =	shalt  }
0x61: {  	_ =	shalt  }
0x62: {  	_ =	shalt  }
0x63: {  	_ =	shalt  }
0x64: {  	_ =	shalt  }
0x65: {  	_ =	shalt  }
0x66: {  	_ =	shalt  }
0x67: {  	_ =	shalt  }
0x68: {  	_ =	shalt  }
0x69: {  	_ =	shalt  }
0x6a: {  	_ =	shalt  }
0x6b: {  	_ =	shalt  }
0x6c: {  	_ =	shalt  }
0x6d: {  	_ =	shalt  }
0x6e: {  	_ =	shalt  }
0x6f: {  	_ =	shalt  }
0x70: {  	_ =	shalt  }
0x71: {  	_ =	shalt  }
0x72: {  	_ =	shalt  }
0x73: {  	_ =	shalt  }
0x74: {  	_ =	shalt  }
0x75: {  	_ =	shalt  }
0x76: {  	_ =	shalt  }
0x77: {  	_ =	shalt  }
0x78: {  	_ =	shalt  }
0x79: {  	_ =	shalt  }
0x7a: {  	_ =	shalt  }
0x7b: {  	_ =	shalt  }
0x7c: {  	_ =	shalt  }
0x7d: {  	_ =	shalt  }
0x7e: {  	_ =	shalt  }
0x7f: {  	_ =	shalt  }
0x80: {  	_ =	shalt  }
0x81: {  	_ =	shalt  }
0x82: {  	_ =	shalt  }
0x83: {  	_ =	shalt  }
0x84: {  	_ =	shalt  }
0x85: {  	_ =	shalt  }
0x86: {  	_ =	shalt  }
0x87: {  	_ =	shalt  }
.Lfunc_end0:
.L_simem_size_0:
called_computation.1_lowered:
.L_overlay_start_0:
0x88: {  	s2 =	sld [smem:$0x3FD9]  }
0x89: {  	s3 =	sld [smem:$0x3FFE];
	_ =	sdelay $0x1  }
0x8a: {  	s1 =	srdreg.scid  }
0x8b: {  	s0 =	sand.u32 $0x1, s1  }
0x8c: {  	s17 =	sshll.u32 s0, $0xA;
	s2 =	sadd.s32 s3, s2  }
0x8d: {  	s2 =	sadd.s32 s2, s17  }
0x8e: {  	[smem:$0x3FBA] =	sst s2  }
0x8f: {  	_ = 	snop  }
0x90: {  	(tm) =	ssettm $0x1  }
0x91: {  	s18 =	sld [smem:$0x3FFB];
	_ =	sdelay $0x3  }
0x92: {  	_ =	strace s18  }
0x93: {  	s2 =	sld [smem:$0x3FFC];
	_ =	sdelay $0x3  }
0x94: {  	_ =	strace s2  }
0x95: {  	s2 =	sld [smem:$0x3FFD];
	_ =	sdelay $0x3  }
0x96: {  	_ =	strace s2  }
0x97: {  	_ =	strace $0x8FFFFFFF  }
0x98: {  	s19 =	sld [smem:$0x3FDB];
	_ =	sdelay $0x1  }
0x99: {  	s20 =	simm.s32 $_scs_section_size  }
0x9a: {  	s4 =	simm.s32 $_size__tile_overlayer_lowered;
	s5 =	simm.s32 $_tile_overlayer_lowered  }
0x9b: {  	s6 =	simm.s32 $0x1BFF;
	s21 =	sshll.u32 s5, $0x1;
	s3 =	sadd.s32 s20, s19  }
0x9c: {  	s22 =	simm.s32 $0x0;
	s4 =	sshll.u32 s4, $0x1;
	s5 =	sadd.s32 s21, s3  }
0x9d: {  	[timem:s22], [sflag:s6] =	dma.local [hbm:s5], s4  }
0x9e: {  	_ =	swait.ge [sflag:s6], s4  }
0x9f: {  	s4 =	ssub.s32 $0x0, s4;
	[sflag:s6] =	ssyncset.done $0x0  }
0xa0: {  	[sflag:s6] =	ssyncadd.s32 s4;
	_ =	sdelay $0x1  }
0xa1: {  	s23 =	simm.s32 $0x1B8B  }
0xa2: {  	_ =	swait.ge [sflag:s23], $0x1  }
0xa3: {  	[sflag:s23] =	ssyncset.done $0x0  }
0xa4: {  	[sflag:s23] =	ssyncadd.s32 $0xFFFFFFFF  }
0xa5: {  	s4 =	sld [smem:$0x0]  }
0xa6: {  	s5 =	sand.u32 $0xFFFFFFFE, s1  }
0xa7: {  	p0 =	sne.s32 s1, s5  }
0xa8: {  	s5 =	sshll.u32 @p0 s5, $0xE  }
0xa9: {  	s5 =	sadd.s32 @p0 $0x11B8D, s5;
	s6 =	sshll.u32 @p0 s4, $0x11  }
0xaa: {  	s5 =	sor.u32 @p0 s6, s5  }
0xab: {  	[sflag:s5] =	ssyncadd.remote.s32 @p0 $0x1;
	_ =	sdelay $0x1  }
0xac: {  	s5 =	simm.s32 @p0 $0x1B8D  }
0xad: {  	_ =	swait.eq @p0 [sflag:s5], $0x1  }
0xae: {  	[sflag:s5] =	ssyncadd.s32 @p0 $0xFFFFFFFF  }
0xaf: {  	s6 =	sshll.u32 @!p0 s1, $0xE  }
0xb0: {  	s6 =	sor.u32 @!p0 $0x4000, s6;
	s5 =	simm.s32 @!p0 $0x1B8D  }
0xb1: {  	s4 =	sshll.u32 @!p0 s4, $0x11;
	s6 =	sadd.s32 @!p0 $0x11B8D, s6;
	_ =	swait.eq @!p0 [sflag:s5], $0x1  }
0xb2: {  	s4 =	sor.u32 @!p0 s4, s6;
	[sflag:s5] =	ssyncadd.s32 @!p0 $0xFFFFFFFF  }
0xb3: {  	s25 =	simm.s32 $0x1B8E;
	s24 =	sld [smem:$0x3FFE];
	[sflag:s4] =	ssyncadd.remote.s32 @!p0 $0x1  }
0xb4: {  	s26 =	simm.s32 $execute0_lowered;
	[smem:$0x3FD2] =	sst s25  }
0xb5: {  	s5 =	sshll.u32 s26, $0x1;
	_ =	strace $0x80000049;
	[dreg:$0x1] =	wrdreg $0xFFFFFFFF  }
0xb6: {  	s28 =	simm.s32 $_size_execute0_lowered;
	s3 =	sadd.s32 s3, s5;
	[dreg:$0x0] =	wrdreg $0x0  }
0xb7: {  	s5 =	sshll.u32 s28, $0x1;
	[dreg:$0x2] =	wrdreg s3  }
0xb8: {  	[dreg:$0x3] =	wrdreg s5  }
0xb9: {  	[dreg:$0x4] =	wrdreg $0xC0  }
0xba: {  	_ =	task [dreg:s22], $0x5FFFF  }
0xbb: {  	[dreg:$0x1] =	wrdreg $0xFFFFFFFF  }
0xbc: {  	[dreg:$0x0] =	wrdreg $0x60  }
0xbd: {  	[dreg:$0x2] =	wrdreg s24  }
0xbe: {  	[dreg:$0x3] =	wrdreg $0xA  }
0xbf: {  	_ =	task.clear_ibuf [dreg:s22], $0x4FFFF;
	_ =	strace $0x90000049  }
0xc0: {  	s29 =	simm.s32 $0xA;
	_ =	strace $0x8000004B  }
0xc1: {  	_ =	swait.ge [sflag:s29], $0x1  }
0xc2: {  	[sflag:s29] =	ssyncadd.s32 $0xFFFFFFFF  }
0xc3: {  	_ =	strace $0x9000004B  }
0xc4: {  	_ =	sfence  }
0xc5: {  	s30 =	sld [smem:$0x0];
	_ =	sdelay $0x2  }
0xc6: {  	s31 =	sshll.u32 s1, $0xD;
	s1 =	sshrl.u32 s1, $0x2  }
0xc7: {  	s4 =	sand.u32 $0x4000, s31;
	s1 =	sadd.s32 s1, s30  }
0xc8: {  	s0 =	sor.u32 s4, s0;
	s1 =	sshll.u32 s1, $0x11  }
0xc9: {  	s0 =	sor.u32 s1, s0  }
0xca: {  	s0 =	sadd.s32 $0x8F2B, s0  }
0xcb: {  	[sflag:s0] =	ssyncadd.remote.s32 $0x1  }
0xcc: {  	_ =	sfence.sel $0xFFFF  }
0xcd: {  	[dreg:$0x0] =	wrdreg $0xFFFFFFFF;
	(pc) =	sbr.abs _section_cstart, $3  }
0xce: {  	[dreg:$0x1] =	wrdreg $0xFFFFFFFF  }
0xcf: {  	_ =	task.clear_ibuf [dreg:s22], $0x2FFFF;
	_ =	strace $0x9FFFFFFF  }
0xd0: {  	(tm) =	ssettm $0x7FFFFFFF  }
0xd1: {  	_ =	shalt  }
tec
execute0_lowered:
.L_overlay_start_1:
0x0: {  	(tag) =	ssettag $0x1  }
0x1: {  	s1 =	srdreg.scid  }
0x2: {  	s0 =	stileid.u32;
	s6 =	sand.u32 $0x1, s1  }
0x3: {  	s8 =	rddreg [dreg:$0x0];
	s30 =	sshll.u32 s0, $0xA;
	s2 =	sshll.u32 s6, $0x9  }
0x4: {  	s7 =	simm.s32 $0x1;
	s1 =	rddreg [dreg:$0x1];
	s9 =	sor.u32 s2, s30  }
0x5: {  	s5 =	sadd.s32 $0x43800, s8;
	s2 =	simm.s32 $0x0;
	s3 =	sshrl.u32 s9, $0x3  }
0x6: {  	s10 =	ssub.s32 $0x2, s6;
	[smem:$0x7FF] =	sst s2;
	s3 =	sadd.s32 s3, s8  }
0x7: {  	_ =	strace $0x8000004A;
	s4 =	sadd.s32 $0x137C00, s3;
	s3 =	simm.s32 $0x2  }
0x8: {  	[tilespmem:s2], [sflag:$0x2] =	stream.linear.gather [hbm4b:s4+s2], $0x200, $0x38;
	[tilespmem:$0x10200] =	vst v63  }
0x9: {  	s6 =	simm.s32 $0x200;
	s11 =	sshrl.u32 s10, $0x1;
	_ =	swait.ge [sflag:s3], $0x200  }
0xa: {  	s9 =	sshll.u32 s9, $0x4;
	s31 =	ssub.s32 s10, s11;
	[sflag:s3] =	ssyncset.done $0x0  }
0xb: {  	s8 =	sadd.s32 s9, s8;
	s9 =	smax.u32 s31, $0x1;
	[sflag:s3] =	ssyncadd.s32 $0xFFFFFE00  }
0xc: {  	[tilespmem:s6], [sflag:$0x1] =	stream.indirect.gather [hbm4b:s5+s6], $0x80, s2, s6, $0xb8;
	[tilespmem:$0x10200] =	vst v63  }
0xd: {  	p0 =	sne.s32 s9, $0x1;
	_ =	swait.ge [sflag:s7], $0x10000  }
.Ltmp0:
0xe: {  	[sflag:s7] =	ssyncset.done $0x0;
	(pc) =	sbr.rel @!p0 .LBB2_2-.Ltmp0, $4  }
0xf: {  	s8 =	sadd.s32 $0x138400, s8;
	[sflag:s7] =	ssyncadd.s32 $0xFFFF0000  }
0x10: {  	[hbm4b:s8+s2] =	stream.linear.scatter [tilespmem:s6], [sflag:$0x2], $0x10000, $0x38;
	[tilespmem:$0x10200] =	vst v63  }
0x11: {  	_ =	swait.ge [sflag:s3], $0x10000  }
0x12: {  	s9 =	sadd.s32 $0xFFFFFFFF, s9;
	[sflag:s3] =	ssyncset.done $0x0  }
.LBB2_1:
0x13: {  	p0 =	sne.s32 s9, $0x1;
	s9 =	sadd.s32 $0xFFFFFFFF, s9;
	[sflag:s3] =	ssyncadd.s32 $0xFFFF0000  }
0x14: {  	[tilespmem:s2], [sflag:$0x2] =	stream.linear.gather [hbm4b:s4+s2], $0x200, $0x38;
	[tilespmem:$0x10200] =	vst v63  }
0x15: {  	_ =	swait.ge [sflag:s3], $0x200  }
0x16: {  	[sflag:s3] =	ssyncset.done $0x0  }
0x17: {  	[sflag:s3] =	ssyncadd.s32 $0xFFFFFE00  }
0x18: {  	[tilespmem:s6], [sflag:$0x1] =	stream.indirect.gather [hbm4b:s5+s6], $0x80, s2, s6, $0xb8;
	[tilespmem:$0x10200] =	vst v63  }
0x19: {  	_ =	swait.ge [sflag:s7], $0x10000  }
.Ltmp1:
0x1a: {  	[sflag:s7] =	ssyncset.done $0x0;
	(pc) =	sbr.rel @p0 .LBB2_1-.Ltmp1, $4  }
0x1b: {  	[sflag:s7] =	ssyncadd.s32 $0xFFFF0000  }
0x1c: {  	[hbm4b:s8+s2] =	stream.linear.scatter [tilespmem:s6], [sflag:$0x2], $0x10000, $0x38;
	[tilespmem:$0x10200] =	vst v63  }
0x1d: {  	_ =	swait.ge [sflag:s3], $0x10000  }
0x1e: {  	[sflag:s3] =	ssyncset.done $0x0  }
.LBB2_2:
0x1f: {  	[sflag:s3] =	ssyncadd.s32 $0xFFFF0000  }
0x20: {  	_ =	sfence.sel $0x180000  }
0x21: {  	[bflag:$0x0] =	sbarrier.arrive $0xFFFF  }
0x22: {  	p0 =	sne.s32 s0, $0x0;
	_ =	strace $0x9000004A  }
0x23: {  	s0 =	sadd.s32 @!p0 $0x100000, s1;
	[bflag:$0x2] =	sbarrier.arrive $0xFFFF  }
0x24: {  	[sflag:s0] =	ssyncadd.tile.s32 @!p0 $0x1;
	_ =	shalt  }
.Lfunc_end2:
_tile_overlayer_lowered:
.L_overlay_start_2:
0x25: {  	(tag) =	ssettag $0x2  }
0x26: {  	s0 =	rddreg [dreg:$0x0];
	s2 =	stileid.u32  }
0x27: {  	s1 =	rddreg [dreg:$0x1];
	p0 =	sne.s32 s2, $0x0  }
0x28: {  	s3 =	rddreg [dreg:$0x2];
	[bflag:$0x3] =	sbarrier.arrive $0xFFFF;
	s2 =	simm.s32 @!p0 $0x1C02  }
0x29: {  	[timem:s3], [sflag:s2] =	dma.local @!p0 [hbm:s0], s1  }
0x2a: {  	s0 =	simm.s32 @!p0 $0x2  }
0x2b: {  	_ =	swait.ge @!p0 [sflag:s0], s1  }
0x2c: {  	s1 =	ssub.s32 @!p0 $0x0, s1;
	[sflag:s0] =	ssyncset.done @!p0 $0x0  }
0x2d: {  	[sflag:s0] =	ssyncadd.s32 @!p0 s1  }
0x2e: {  	[bflag:$0x3] =	sbarrier.arrive $0xFFFF  }
0x2f: {  	_ =	shalt  }

</sc_bundles>
